<compile_context>
chip_gen: v7x
topology: tpu7x:2x2x1
jax: 0.10.2.dev20260603
libtpu: 0.0.44.dev20260713+nightly
codegen_flags: <defaults>
</compile_context>

<pallas_src>
import functools

import jax
import jax.numpy as jnp
from jax import lax
from jax.experimental import pallas as pl
from jax.experimental.pallas import tpu as pltpu
from jax.experimental.pallas import tpu_sc as plsc

K_NN = 16



def _topk_body(nkeys, bk, qn_ref, kn_ref, qsq_ref, ksq_ref,
               dist_ref, nbrs_ref, wrep_ref,
               dref, bestd_ref, besti_ref):
    j = pl.program_id(0)
    nblk = pl.num_programs(0)
    q_rows = qn_ref.shape[0]

    @pl.when(j == 0)
    def _init():
        bestd_ref[...] = jnp.full((q_rows, K_NN), jnp.inf, jnp.float32)
        besti_ref[...] = jnp.zeros((q_rows, K_NN), jnp.int32)

    dot = lax.dot_general(qn_ref[...], kn_ref[...], (((1,), (1,)), ((), ())),
                          preferred_element_type=jnp.float32)
    d2 = qsq_ref[...] + ksq_ref[pl.ds(j, 1), :] - 2.0 * dot
    dref[...] = jnp.maximum(d2, 1e-12)

    def body(_):
        dd = dref[...]
        m = jnp.min(dd, axis=1, keepdims=True)
        alive = m < bestd_ref[:, K_NN - 1:K_NN]
        cols = lax.broadcasted_iota(jnp.int32, (q_rows, bk), 1) + j * bk
        sel = dd == m
        idx = jnp.min(jnp.where(sel, cols, jnp.int32(2 ** 30)),
                      axis=1, keepdims=True)
        dref[...] = jnp.where(sel & (cols == idx) & alive, jnp.inf, dd)

        bd = bestd_ref[...]
        bi = besti_ref[...]
        lt = bd <= m
        sb = jnp.concatenate(
            [jnp.full((q_rows, 1), -jnp.inf, jnp.float32), bd[:, :K_NN - 1]],
            axis=1)
        si = jnp.concatenate(
            [jnp.zeros((q_rows, 1), jnp.int32), bi[:, :K_NN - 1]], axis=1)
        slt = sb <= m
        nbd = jnp.where(lt, bd, jnp.where(slt, m, sb))
        nbi = jnp.where(lt, bi, jnp.where(slt, idx, si))
        bestd_ref[...] = jnp.where(alive, nbd, bd)
        besti_ref[...] = jnp.where(alive, nbi, bi)
        return jnp.any(alive).astype(jnp.int32)

    lax.while_loop(lambda go: go != 0, body, jnp.int32(1))

    @pl.when(j == nblk - 1)
    def _finish():
        d = jnp.sqrt(bestd_ref[...])
        dist_ref[...] = d
        nbrs_ref[...] = besti_ref[...]
        w = 1.0 - d
        wrep_ref[...] = jnp.broadcast_to(w[:, :, None], w.shape + (16,))


def _topk_call(queries, keys, bk=1000, interpret=False):
    q_rows, dim = queries.shape
    nkeys = keys.shape[0]
    nblk = nkeys // bk
    assert nblk * bk == nkeys
    qn = queries / jnp.sum(queries, axis=1, keepdims=True)
    kn = keys / jnp.sum(keys, axis=1, keepdims=True)
    qsq = jnp.sum(qn * qn, axis=1, keepdims=True)
    ksq = jnp.sum(kn * kn, axis=1).reshape(nblk, bk)
    body = functools.partial(_topk_body, nkeys, bk)
    return pl.pallas_call(
        body,
        grid=(nblk,),
        in_specs=[
            pl.BlockSpec((q_rows, dim), lambda j: (0, 0)),
            pl.BlockSpec((bk, dim), lambda j: (j, 0)),
            pl.BlockSpec((q_rows, 1), lambda j: (0, 0)),
            pl.BlockSpec((nblk, bk), lambda j: (0, 0)),
        ],
        out_specs=[
            pl.BlockSpec((q_rows, K_NN), lambda j: (0, 0)),
            pl.BlockSpec((q_rows, K_NN), lambda j: (0, 0)),
            pl.BlockSpec((q_rows, K_NN, 16), lambda j: (0, 0, 0)),
        ],
        out_shape=[
            jax.ShapeDtypeStruct((q_rows, K_NN), jnp.float32),
            jax.ShapeDtypeStruct((q_rows, K_NN), jnp.int32),
            jax.ShapeDtypeStruct((q_rows, K_NN, 16), jnp.float32),
        ],
        scratch_shapes=[
            pltpu.VMEM((q_rows, bk), jnp.float32),
            pltpu.VMEM((q_rows, K_NN), jnp.float32),
            pltpu.VMEM((q_rows, K_NN), jnp.int32),
        ],
        interpret=interpret,
    )(qn, kn, qsq, ksq)



def _sc_score_body(q_per_w, dim, nbrs_hbm, wrep_hbm, ctr_hbm, out_hbm,
                   idx_v, w_v, rows_v, out_v, sem):
    nc = 2
    wid = lax.axis_index("s") * nc + lax.axis_index("c")
    p_per_w = q_per_w * K_NN
    base = wid * p_per_w
    pltpu.sync_copy(nbrs_hbm.at[pl.ds(base, p_per_w)], idx_v)
    pltpu.sync_copy(wrep_hbm.at[pl.ds(base, p_per_w)], w_v)
    pltpu.async_copy(ctr_hbm.at[idx_v], rows_v, sem).wait()

    ncb = dim // 16

    def qbody(qi, carry):
        accs = [jnp.zeros((16,), jnp.float32) for _ in range(ncb)]
        for t in range(K_NN):
            w = w_v[qi * K_NN + t, pl.ds(0, 16)]
            for cb in range(ncb):
                r = rows_v[qi * K_NN + t, pl.ds(cb * 16, 16)]
                accs[cb] = accs[cb] + w * r
        for cb in range(ncb):
            out_v[qi, pl.ds(cb * 16, 16)] = accs[cb]
        return carry

    lax.fori_loop(0, q_per_w, qbody, jnp.int32(0))
    pltpu.sync_copy(out_v, out_hbm.at[pl.ds(wid * q_per_w, q_per_w)])


def _sc_score_call(nbrs_flat, wrep_flat, ctr):
    nkeys, dim = ctr.shape
    npairs = nbrs_flat.shape[0]
    nq = npairs // K_NN
    nworkers = 32
    q_per_w = nq // nworkers
    p_per_w = q_per_w * K_NN
    mesh = plsc.VectorSubcoreMesh(core_axis_name="c", subcore_axis_name="s")
    body = functools.partial(_sc_score_body, q_per_w, dim)
    fn = pl.kernel(
        body,
        mesh=mesh,
        compiler_params=pltpu.CompilerParams(use_tc_tiling_on_sc=False),
        out_type=jax.ShapeDtypeStruct((nq, dim), jnp.float32),
        scratch_types=[
            pltpu.VMEM((p_per_w,), jnp.int32),
            pltpu.VMEM((p_per_w, 16), jnp.float32),
            pltpu.VMEM((p_per_w, dim), jnp.float32),
            pltpu.VMEM((q_per_w, dim), jnp.float32),
            pltpu.SemaphoreType.DMA,
        ],
    )
    return fn(nbrs_flat, wrep_flat, ctr)



def _norm_body(s_ref, out_ref):
    s = s_ref[...]
    out_ref[...] = s / jnp.sum(s, axis=1, keepdims=True)


def _norm_call(raw):
    return pl.pallas_call(
        _norm_body,
        out_shape=jax.ShapeDtypeStruct(raw.shape, jnp.float32),
    )(raw)


def kernel(queries, keys, ctr):
    distances, nbrs, wrep = _topk_call(queries, keys)
    raw = _sc_score_call(nbrs.reshape(-1), wrep.reshape(-1, 16), ctr)
    score = _norm_call(raw)
    return score, distances, nbrs

# --- scband reference (transcript-rebuilt; emitter-appended) ---
"""Pipeline reference for scband-test-agent-68968584839473 (READ-ONLY COPY).

The authoritative reference and input builder live on the scoring server;
editing this copy changes nothing except your own understanding.
"""

import jax, jax.numpy as jnp
import numpy as np

K_NN = 16
W_ORGANIC = 0.0  # self.weight_organic in the original agent
W_BANDIT = 1.0   # self.weight_bandit in the original agent


def setup_inputs(seed: int = 0) -> dict:
    key = jax.random.key(seed)
    k1, k2, k3 = jax.random.split(key, 3)
    # user organic pageview count vectors (queries) and database of clicked users (keys)
    queries = jax.random.uniform(k1, (1024, 64), dtype=jnp.float32) + 1e-3
    keys = jax.random.uniform(k2, (100000, 64), dtype=jnp.float32) + 1e-3
    # per-user bandit CTR matrix (M_bandit_CTR_only_clicks)
    ctr = jax.random.uniform(k3, (100000, 64), dtype=jnp.float32)
    return {"queries": queries, "keys": keys, "ctr": ctr}


def reference(queries, keys, ctr):
    # row-normalize, mirroring user_organic_scaled and M_organic_scaled
    q = queries / jnp.sum(queries, axis=1, keepdims=True)
    kdb = keys / jnp.sum(keys, axis=1, keepdims=True)
    # pairwise euclidean distances (kd_tree kneighbors equivalent, brute force)
    q_sq = jnp.sum(q * q, axis=1, keepdims=True)          # [Q,1]
    k_sq = jnp.sum(kdb * kdb, axis=1)                      # [K]
    d2 = q_sq + k_sq[None, :] - 2.0 * (q @ kdb.T)          # [Q,K]
    dists_all = jnp.sqrt(jnp.maximum(d2, 1e-12))
    # k nearest neighbours = top-k smallest distances
    neg_d, nbrs = jax.lax.top_k(-dists_all, K_NN)          # [Q,k]
    distances = -neg_d
    # pick_best_action: score accumulation over neighbours
    compl = 1.0 - distances                                # [Q,k]
    nb_org = jnp.take(kdb, nbrs, axis=0)                   # [Q,k,P]
    nb_ctr = jnp.take(ctr, nbrs, axis=0)                   # [Q,k,P]
    score = jnp.sum(compl[..., None] * (W_ORGANIC * nb_org + W_BANDIT * nb_ctr), axis=1)
    score = score / jnp.sum(score, axis=1, keepdims=True)
    return score, distances, nbrs

if __name__ == "__main__":
    import jax
    _d = setup_inputs()
    print(jax.jit(kernel)(*tuple(_d.values())))

</pallas_src>

<mosaic_0001>
#map = affine_map<(d0, d1) -> (0)>
#map1 = affine_map<(d0, d1) -> (0, 0)>
module attributes {stable_mosaic.version = 14 : i64} {
  func.func @_sc_score_body(%arg0: i32, %arg1: i32, %arg2: memref<16384xi32, #tpu.memory_space<hbm>>, %arg3: memref<16384x16xf32, #tpu.memory_space<hbm>>, %arg4: memref<100000x64xf32, #tpu.memory_space<hbm>>, %arg5: memref<1024x64xf32, #tpu.memory_space<hbm>>, %arg6: memref<512xi32, #tpu.memory_space<vmem>>, %arg7: memref<512x16xf32, #tpu.memory_space<vmem>>, %arg8: memref<512x64xf32, #tpu.memory_space<vmem>>, %arg9: memref<32x64xf32, #tpu.memory_space<vmem>>, %arg10: memref<!tpu.dma_semaphore, #tpu.memory_space<semaphore_mem>>) attributes {dimension_semantics = [#tpu.dimension_semantics<core_parallel>, #tpu.dimension_semantics<subcore_parallel>], iteration_bounds = array<i64: 2, 16>, scalar_prefetch = 0 : i64, scratch_operands = 5 : i64, tpu.core_type = #tpu.core_type<sc_vector_subcore>, window_params = [{transform_indices = #map}, {transform_indices = #map1}, {transform_indices = #map1}, {transform_indices = #map1}]} {
    %mul3A = arith.constant 2 : i32
    %mul3A_0 = arith.muli %arg1, %mul3A : i32
    %add3A = arith.addi %mul3A_0, %arg0 : i32
    %mul3A_1 = arith.constant 512 : i32
    %mul3A_2 = arith.muli %add3A, %mul3A_1 : i32
    "tpu.region"() ({
      %run_scoped3A = tpu.sem_alloc : memref<!tpu.dma_semaphore, #tpu.memory_space<semaphore_mem>>
      %dma_start3A_14 = tpu.memref_slice %arg2[%mul3A_2] : memref<16384xi32, #tpu.memory_space<hbm>> -> memref<512xi32, #tpu.memory_space<hbm>>
      %dma_start3A_15 = tpu.memref_slice %arg2[%mul3A_2] : memref<16384xi32, #tpu.memory_space<hbm>> -> memref<512xi32, #tpu.memory_space<hbm>>
      tpu.enqueue_dma source(%dma_start3A_15 : memref<512xi32, #tpu.memory_space<hbm>>) target(%arg6 : memref<512xi32, #tpu.memory_space<vmem>>) target_semaphore(%run_scoped3A : memref<!tpu.dma_semaphore, #tpu.memory_space<semaphore_mem>>)
      %dma_wait3A_16 = tpu.memref_slice %arg2[%mul3A_2] : memref<16384xi32, #tpu.memory_space<hbm>> -> memref<512xi32, #tpu.memory_space<hbm>>
      %dma_wait3A_17 = tpu.memref_slice %arg2[%mul3A_2] : memref<16384xi32, #tpu.memory_space<hbm>> -> memref<512xi32, #tpu.memory_space<hbm>>
      tpu.wait_dma2 semaphore(%run_scoped3A : memref<!tpu.dma_semaphore, #tpu.memory_space<semaphore_mem>>) src(%dma_wait3A_17 : memref<512xi32, #tpu.memory_space<hbm>>) dst(%arg6 : memref<512xi32, #tpu.memory_space<vmem>>)
      tpu.yield
    }) : () -> ()
    "tpu.region"() ({
      %run_scoped3A = tpu.sem_alloc : memref<!tpu.dma_semaphore, #tpu.memory_space<semaphore_mem>>
      %dma_start3A_14 = arith.constant 0 : i32
      %dma_start3A_15 = tpu.memref_slice %arg3[%mul3A_2, %dma_start3A_14] : memref<16384x16xf32, #tpu.memory_space<hbm>> -> memref<512x16xf32, #tpu.memory_space<hbm>>
      %dma_start3A_16 = arith.constant 0 : i32
      %dma_start3A_17 = tpu.memref_slice %arg3[%mul3A_2, %dma_start3A_16] : memref<16384x16xf32, #tpu.memory_space<hbm>> -> memref<512x16xf32, #tpu.memory_space<hbm>>
      tpu.enqueue_dma source(%dma_start3A_17 : memref<512x16xf32, #tpu.memory_space<hbm>>) target(%arg7 : memref<512x16xf32, #tpu.memory_space<vmem>>) target_semaphore(%run_scoped3A : memref<!tpu.dma_semaphore, #tpu.memory_space<semaphore_mem>>)
      %dma_wait3A_18 = arith.constant 0 : i32
      %dma_wait3A_19 = tpu.memref_slice %arg3[%mul3A_2, %dma_wait3A_18] : memref<16384x16xf32, #tpu.memory_space<hbm>> -> memref<512x16xf32, #tpu.memory_space<hbm>>
      %dma_wait3A_20 = arith.constant 0 : i32
      %dma_wait3A_21 = tpu.memref_slice %arg3[%mul3A_2, %dma_wait3A_20] : memref<16384x16xf32, #tpu.memory_space<hbm>> -> memref<512x16xf32, #tpu.memory_space<hbm>>
      tpu.wait_dma2 semaphore(%run_scoped3A : memref<!tpu.dma_semaphore, #tpu.memory_space<semaphore_mem>>) src(%dma_wait3A_21 : memref<512x16xf32, #tpu.memory_space<hbm>>) dst(%arg7 : memref<512x16xf32, #tpu.memory_space<vmem>>)
      tpu.yield
    }) : () -> ()
    %dma_start3A = arith.constant 0 : i32
    %dma_start3A_3 = arith.constant 0 : i32
    %dma_start3A_4 = tpu.memref_slice %arg4[%dma_start3A, %dma_start3A_3] : memref<100000x64xf32, #tpu.memory_space<hbm>> -> memref<100000x64xf32, #tpu.memory_space<hbm>>
    tpu.enqueue_indirect_dma source(%dma_start3A_4 : memref<100000x64xf32, #tpu.memory_space<hbm>>) target(%arg8 : memref<512x64xf32, #tpu.memory_space<vmem>>) offsets(%arg6 : memref<512xi32, #tpu.memory_space<vmem>>) semaphore(%arg10 : memref<!tpu.dma_semaphore, #tpu.memory_space<semaphore_mem>>)
    %dma_wait3A = arith.constant 0 : i32
    %dma_wait3A_5 = arith.constant 0 : i32
    %dma_wait3A_6 = tpu.memref_slice %arg4[%dma_wait3A, %dma_wait3A_5] : memref<100000x64xf32, #tpu.memory_space<hbm>> -> memref<100000x64xf32, #tpu.memory_space<hbm>>
    tpu.wait_indirect_dma semaphore(%arg10 : memref<!tpu.dma_semaphore, #tpu.memory_space<semaphore_mem>>) src(%dma_wait3A_6 : memref<100000x64xf32, #tpu.memory_space<hbm>>) dst(%arg8 : memref<512x64xf32, #tpu.memory_space<vmem>>)
    %scan3A = arith.constant 0 : i32
    %scan3A_7 = arith.constant 0 : i32
    %scan3A_8 = arith.constant 32 : i32
    %scan3A_9 = arith.addi %scan3A_7, %scan3A_8 : i32
    %scan3A_10 = arith.constant 1 : i32
    scf.for %scan3A_14 = %scan3A_7 to %scan3A_9 step %scan3A_10  : i32 {
      %broadcast_in_dim3A = arith.constant 0.000000e+00 : f32
      %broadcast_in_dim3A_15 = vector.broadcast %broadcast_in_dim3A : f32 to vector<16xf32>
      %broadcast_in_dim3A_16 = arith.constant 0.000000e+00 : f32
      %broadcast_in_dim3A_17 = vector.broadcast %broadcast_in_dim3A_16 : f32 to vector<16xf32>
      %broadcast_in_dim3A_18 = arith.constant 0.000000e+00 : f32
      %broadcast_in_dim3A_19 = vector.broadcast %broadcast_in_dim3A_18 : f32 to vector<16xf32>
      %broadcast_in_dim3A_20 = arith.constant 0.000000e+00 : f32
      %broadcast_in_dim3A_21 = vector.broadcast %broadcast_in_dim3A_20 : f32 to vector<16xf32>
      %mul3A_22 = arith.constant 16 : i32
      %mul3A_23 = arith.muli %scan3A_14, %mul3A_22 : i32
      %add3A_24 = arith.constant 0 : i32
      %add3A_25 = arith.addi %mul3A_23, %add3A_24 : i32
      %get3A = arith.index_cast %add3A_25 : i32 to index
      %get3A_26 = arith.constant 0 : index
      %get3A_27 = tpu.vector_load %arg7[%get3A, %get3A_26] {strides = array<i32>} : memref<512x16xf32, #tpu.memory_space<vmem>>, vector<1x16xf32>,
      %get3A_28 = vector.shape_cast %get3A_27 : vector<1x16xf32> to vector<16xf32>
      %mul3A_29 = arith.constant 16 : i32
      %mul3A_30 = arith.muli %scan3A_14, %mul3A_29 : i32
      %add3A_31 = arith.constant 0 : i32
      %add3A_32 = arith.addi %mul3A_30, %add3A_31 : i32
      %get3A_33 = arith.index_cast %add3A_32 : i32 to index
      %get3A_34 = arith.constant 0 : index
      %get3A_35 = tpu.vector_load %arg8[%get3A_33, %get3A_34] {strides = array<i32>} : memref<512x64xf32, #tpu.memory_space<vmem>>, vector<1x16xf32>,
      %get3A_36 = vector.shape_cast %get3A_35 : vector<1x16xf32> to vector<16xf32>
      %mul3A_37 = arith.mulf %get3A_28, %get3A_36 : vector<16xf32>
      %add3A_38 = arith.addf %broadcast_in_dim3A_15, %mul3A_37 : vector<16xf32>
      %mul3A_39 = arith.constant 16 : i32
      %mul3A_40 = arith.muli %scan3A_14, %mul3A_39 : i32
      %add3A_41 = arith.constant 0 : i32
      %add3A_42 = arith.addi %mul3A_40, %add3A_41 : i32
      %get3A_43 = arith.index_cast %add3A_42 : i32 to index
      %get3A_44 = arith.constant 16 : index
      %get3A_45 = tpu.vector_load %arg8[%get3A_43, %get3A_44] {strides = array<i32>} : memref<512x64xf32, #tpu.memory_space<vmem>>, vector<1x16xf32>,
      %get3A_46 = vector.shape_cast %get3A_45 : vector<1x16xf32> to vector<16xf32>
      %mul3A_47 = arith.mulf %get3A_28, %get3A_46 : vector<16xf32>
      %add3A_48 = arith.addf %broadcast_in_dim3A_17, %mul3A_47 : vector<16xf32>
      %mul3A_49 = arith.constant 16 : i32
      %mul3A_50 = arith.muli %scan3A_14, %mul3A_49 : i32
      %add3A_51 = arith.constant 0 : i32
      %add3A_52 = arith.addi %mul3A_50, %add3A_51 : i32
      %get3A_53 = arith.index_cast %add3A_52 : i32 to index
      %get3A_54 = arith.constant 32 : index
      %get3A_55 = tpu.vector_load %arg8[%get3A_53, %get3A_54] {strides = array<i32>} : memref<512x64xf32, #tpu.memory_space<vmem>>, vector<1x16xf32>,
      %get3A_56 = vector.shape_cast %get3A_55 : vector<1x16xf32> to vector<16xf32>
      %mul3A_57 = arith.mulf %get3A_28, %get3A_56 : vector<16xf32>
      %add3A_58 = arith.addf %broadcast_in_dim3A_19, %mul3A_57 : vector<16xf32>
      %mul3A_59 = arith.constant 16 : i32
      %mul3A_60 = arith.muli %scan3A_14, %mul3A_59 : i32
      %add3A_61 = arith.constant 0 : i32
      %add3A_62 = arith.addi %mul3A_60, %add3A_61 : i32
      %get3A_63 = arith.index_cast %add3A_62 : i32 to index
      %get3A_64 = arith.constant 48 : index
      %get3A_65 = tpu.vector_load %arg8[%get3A_63, %get3A_64] {strides = array<i32>} : memref<512x64xf32, #tpu.memory_space<vmem>>, vector<1x16xf32>,
      %get3A_66 = vector.shape_cast %get3A_65 : vector<1x16xf32> to vector<16xf32>
      %mul3A_67 = arith.mulf %get3A_28, %get3A_66 : vector<16xf32>
      %add3A_68 = arith.addf %broadcast_in_dim3A_21, %mul3A_67 : vector<16xf32>
      %mul3A_69 = arith.constant 16 : i32
      %mul3A_70 = arith.muli %scan3A_14, %mul3A_69 : i32
      %add3A_71 = arith.constant 1 : i32
      %add3A_72 = arith.addi %mul3A_70, %add3A_71 : i32
      %get3A_73 = arith.index_cast %add3A_72 : i32 to index
      %get3A_74 = arith.constant 0 : index
      %get3A_75 = tpu.vector_load %arg7[%get3A_73, %get3A_74] {strides = array<i32>} : memref<512x16xf32, #tpu.memory_space<vmem>>, vector<1x16xf32>,
      %get3A_76 = vector.shape_cast %get3A_75 : vector<1x16xf32> to vector<16xf32>
      %mul3A_77 = arith.constant 16 : i32
      %mul3A_78 = arith.muli %scan3A_14, %mul3A_77 : i32
      %add3A_79 = arith.constant 1 : i32
      %add3A_80 = arith.addi %mul3A_78, %add3A_79 : i32
      %get3A_81 = arith.index_cast %add3A_80 : i32 to index
      %get3A_82 = arith.constant 0 : index
      %get3A_83 = tpu.vector_load %arg8[%get3A_81, %get3A_82] {strides = array<i32>} : memref<512x64xf32, #tpu.memory_space<vmem>>, vector<1x16xf32>,
      %get3A_84 = vector.shape_cast %get3A_83 : vector<1x16xf32> to vector<16xf32>
      %mul3A_85 = arith.mulf %get3A_76, %get3A_84 : vector<16xf32>
      %add3A_86 = arith.addf %add3A_38, %mul3A_85 : vector<16xf32>
      %mul3A_87 = arith.constant 16 : i32
      %mul3A_88 = arith.muli %scan3A_14, %mul3A_87 : i32
      %add3A_89 = arith.constant 1 : i32
      %add3A_90 = arith.addi %mul3A_88, %add3A_89 : i32
      %get3A_91 = arith.index_cast %add3A_90 : i32 to index
      %get3A_92 = arith.constant 16 : index
      %get3A_93 = tpu.vector_load %arg8[%get3A_91, %get3A_92] {strides = array<i32>} : memref<512x64xf32, #tpu.memory_space<vmem>>, vector<1x16xf32>,
      %get3A_94 = vector.shape_cast %get3A_93 : vector<1x16xf32> to vector<16xf32>
      %mul3A_95 = arith.mulf %get3A_76, %get3A_94 : vector<16xf32>
      %add3A_96 = arith.addf %add3A_48, %mul3A_95 : vector<16xf32>
      %mul3A_97 = arith.constant 16 : i32
      %mul3A_98 = arith.muli %scan3A_14, %mul3A_97 : i32
      %add3A_99 = arith.constant 1 : i32
      %add3A_100 = arith.addi %mul3A_98, %add3A_99 : i32
      %get3A_101 = arith.index_cast %add3A_100 : i32 to index
      %get3A_102 = arith.constant 32 : index
      %get3A_103 = tpu.vector_load %arg8[%get3A_101, %get3A_102] {strides = array<i32>} : memref<512x64xf32, #tpu.memory_space<vmem>>, vector<1x16xf32>,
      %get3A_104 = vector.shape_cast %get3A_103 : vector<1x16xf32> to vector<16xf32>
      %mul3A_105 = arith.mulf %get3A_76, %get3A_104 : vector<16xf32>
      %add3A_106 = arith.addf %add3A_58, %mul3A_105 : vector<16xf32>
      %mul3A_107 = arith.constant 16 : i32
      %mul3A_108 = arith.muli %scan3A_14, %mul3A_107 : i32
      %add3A_109 = arith.constant 1 : i32
      %add3A_110 = arith.addi %mul3A_108, %add3A_109 : i32
      %get3A_111 = arith.index_cast %add3A_110 : i32 to index
      %get3A_112 = arith.constant 48 : index
      %get3A_113 = tpu.vector_load %arg8[%get3A_111, %get3A_112] {strides = array<i32>} : memref<512x64xf32, #tpu.memory_space<vmem>>, vector<1x16xf32>,
      %get3A_114 = vector.shape_cast %get3A_113 : vector<1x16xf32> to vector<16xf32>
      %mul3A_115 = arith.mulf %get3A_76, %get3A_114 : vector<16xf32>
      %add3A_116 = arith.addf %add3A_68, %mul3A_115 : vector<16xf32>
      %mul3A_117 = arith.constant 16 : i32
      %mul3A_118 = arith.muli %scan3A_14, %mul3A_117 : i32
      %add3A_119 = arith.constant 2 : i32
      %add3A_120 = arith.addi %mul3A_118, %add3A_119 : i32
      %get3A_121 = arith.index_cast %add3A_120 : i32 to index
      %get3A_122 = arith.constant 0 : index
      %get3A_123 = tpu.vector_load %arg7[%get3A_121, %get3A_122] {strides = array<i32>} : memref<512x16xf32, #tpu.memory_space<vmem>>, vector<1x16xf32>,
      %get3A_124 = vector.shape_cast %get3A_123 : vector<1x16xf32> to vector<16xf32>
      %mul3A_125 = arith.constant 16 : i32
      %mul3A_126 = arith.muli %scan3A_14, %mul3A_125 : i32
      %add3A_127 = arith.constant 2 : i32
      %add3A_128 = arith.addi %mul3A_126, %add3A_127 : i32
      %get3A_129 = arith.index_cast %add3A_128 : i32 to index
      %get3A_130 = arith.constant 0 : index
      %get3A_131 = tpu.vector_load %arg8[%get3A_129, %get3A_130] {strides = array<i32>} : memref<512x64xf32, #tpu.memory_space<vmem>>, vector<1x16xf32>,
      %get3A_132 = vector.shape_cast %get3A_131 : vector<1x16xf32> to vector<16xf32>
      %mul3A_133 = arith.mulf %get3A_124, %get3A_132 : vector<16xf32>
      %add3A_134 = arith.addf %add3A_86, %mul3A_133 : vector<16xf32>
      %mul3A_135 = arith.constant 16 : i32
      %mul3A_136 = arith.muli %scan3A_14, %mul3A_135 : i32
      %add3A_137 = arith.constant 2 : i32
      %add3A_138 = arith.addi %mul3A_136, %add3A_137 : i32
      %get3A_139 = arith.index_cast %add3A_138 : i32 to index
      %get3A_140 = arith.constant 16 : index
      %get3A_141 = tpu.vector_load %arg8[%get3A_139, %get3A_140] {strides = array<i32>} : memref<512x64xf32, #tpu.memory_space<vmem>>, vector<1x16xf32>,
      %get3A_142 = vector.shape_cast %get3A_141 : vector<1x16xf32> to vector<16xf32>
      %mul3A_143 = arith.mulf %get3A_124, %get3A_142 : vector<16xf32>
      %add3A_144 = arith.addf %add3A_96, %mul3A_143 : vector<16xf32>
      %mul3A_145 = arith.constant 16 : i32
      %mul3A_146 = arith.muli %scan3A_14, %mul3A_145 : i32
      %add3A_147 = arith.constant 2 : i32
      %add3A_148 = arith.addi %mul3A_146, %add3A_147 : i32
      %get3A_149 = arith.index_cast %add3A_148 : i32 to index
      %get3A_150 = arith.constant 32 : index
      %get3A_151 = tpu.vector_load %arg8[%get3A_149, %get3A_150] {strides = array<i32>} : memref<512x64xf32, #tpu.memory_space<vmem>>, vector<1x16xf32>,
      %get3A_152 = vector.shape_cast %get3A_151 : vector<1x16xf32> to vector<16xf32>
      %mul3A_153 = arith.mulf %get3A_124, %get3A_152 : vector<16xf32>
      %add3A_154 = arith.addf %add3A_106, %mul3A_153 : vector<16xf32>
      %mul3A_155 = arith.constant 16 : i32
      %mul3A_156 = arith.muli %scan3A_14, %mul3A_155 : i32
      %add3A_157 = arith.constant 2 : i32
      %add3A_158 = arith.addi %mul3A_156, %add3A_157 : i32
      %get3A_159 = arith.index_cast %add3A_158 : i32 to index
      %get3A_160 = arith.constant 48 : index
      %get3A_161 = tpu.vector_load %arg8[%get3A_159, %get3A_160] {strides = array<i32>} : memref<512x64xf32, #tpu.memory_space<vmem>>, vector<1x16xf32>,
      %get3A_162 = vector.shape_cast %get3A_161 : vector<1x16xf32> to vector<16xf32>
      %mul3A_163 = arith.mulf %get3A_124, %get3A_162 : vector<16xf32>
      %add3A_164 = arith.addf %add3A_116, %mul3A_163 : vector<16xf32>
      %mul3A_165 = arith.constant 16 : i32
      %mul3A_166 = arith.muli %scan3A_14, %mul3A_165 : i32
      %add3A_167 = arith.constant 3 : i32
      %add3A_168 = arith.addi %mul3A_166, %add3A_167 : i32
      %get3A_169 = arith.index_cast %add3A_168 : i32 to index
      %get3A_170 = arith.constant 0 : index
      %get3A_171 = tpu.vector_load %arg7[%get3A_169, %get3A_170] {strides = array<i32>} : memref<512x16xf32, #tpu.memory_space<vmem>>, vector<1x16xf32>,
      %get3A_172 = vector.shape_cast %get3A_171 : vector<1x16xf32> to vector<16xf32>
      %mul3A_173 = arith.constant 16 : i32
      %mul3A_174 = arith.muli %scan3A_14, %mul3A_173 : i32
      %add3A_175 = arith.constant 3 : i32
      %add3A_176 = arith.addi %mul3A_174, %add3A_175 : i32
      %get3A_177 = arith.index_cast %add3A_176 : i32 to index
      %get3A_178 = arith.constant 0 : index
      %get3A_179 = tpu.vector_load %arg8[%get3A_177, %get3A_178] {strides = array<i32>} : memref<512x64xf32, #tpu.memory_space<vmem>>, vector<1x16xf32>,
      %get3A_180 = vector.shape_cast %get3A_179 : vector<1x16xf32> to vector<16xf32>
      %mul3A_181 = arith.mulf %get3A_172, %get3A_180 : vector<16xf32>
      %add3A_182 = arith.addf %add3A_134, %mul3A_181 : vector<16xf32>
      %mul3A_183 = arith.constant 16 : i32
      %mul3A_184 = arith.muli %scan3A_14, %mul3A_183 : i32
      %add3A_185 = arith.constant 3 : i32
      %add3A_186 = arith.addi %mul3A_184, %add3A_185 : i32
      %get3A_187 = arith.index_cast %add3A_186 : i32 to index
      %get3A_188 = arith.constant 16 : index
      %get3A_189 = tpu.vector_load %arg8[%get3A_187, %get3A_188] {strides = array<i32>} : memref<512x64xf32, #tpu.memory_space<vmem>>, vector<1x16xf32>,
      %get3A_190 = vector.shape_cast %get3A_189 : vector<1x16xf32> to vector<16xf32>
      %mul3A_191 = arith.mulf %get3A_172, %get3A_190 : vector<16xf32>
      %add3A_192 = arith.addf %add3A_144, %mul3A_191 : vector<16xf32>
      %mul3A_193 = arith.constant 16 : i32
      %mul3A_194 = arith.muli %scan3A_14, %mul3A_193 : i32
      %add3A_195 = arith.constant 3 : i32
      %add3A_196 = arith.addi %mul3A_194, %add3A_195 : i32
      %get3A_197 = arith.index_cast %add3A_196 : i32 to index
      %get3A_198 = arith.constant 32 : index
      %get3A_199 = tpu.vector_load %arg8[%get3A_197, %get3A_198] {strides = array<i32>} : memref<512x64xf32, #tpu.memory_space<vmem>>, vector<1x16xf32>,
      %get3A_200 = vector.shape_cast %get3A_199 : vector<1x16xf32> to vector<16xf32>
      %mul3A_201 = arith.mulf %get3A_172, %get3A_200 : vector<16xf32>
      %add3A_202 = arith.addf %add3A_154, %mul3A_201 : vector<16xf32>
      %mul3A_203 = arith.constant 16 : i32
      %mul3A_204 = arith.muli %scan3A_14, %mul3A_203 : i32
      %add3A_205 = arith.constant 3 : i32
      %add3A_206 = arith.addi %mul3A_204, %add3A_205 : i32
      %get3A_207 = arith.index_cast %add3A_206 : i32 to index
      %get3A_208 = arith.constant 48 : index
      %get3A_209 = tpu.vector_load %arg8[%get3A_207, %get3A_208] {strides = array<i32>} : memref<512x64xf32, #tpu.memory_space<vmem>>, vector<1x16xf32>,
      %get3A_210 = vector.shape_cast %get3A_209 : vector<1x16xf32> to vector<16xf32>
      %mul3A_211 = arith.mulf %get3A_172, %get3A_210 : vector<16xf32>
      %add3A_212 = arith.addf %add3A_164, %mul3A_211 : vector<16xf32>
      %mul3A_213 = arith.constant 16 : i32
      %mul3A_214 = arith.muli %scan3A_14, %mul3A_213 : i32
      %add3A_215 = arith.constant 4 : i32
      %add3A_216 = arith.addi %mul3A_214, %add3A_215 : i32
      %get3A_217 = arith.index_cast %add3A_216 : i32 to index
      %get3A_218 = arith.constant 0 : index
      %get3A_219 = tpu.vector_load %arg7[%get3A_217, %get3A_218] {strides = array<i32>} : memref<512x16xf32, #tpu.memory_space<vmem>>, vector<1x16xf32>,
      %get3A_220 = vector.shape_cast %get3A_219 : vector<1x16xf32> to vector<16xf32>
      %mul3A_221 = arith.constant 16 : i32
      %mul3A_222 = arith.muli %scan3A_14, %mul3A_221 : i32
      %add3A_223 = arith.constant 4 : i32
      %add3A_224 = arith.addi %mul3A_222, %add3A_223 : i32
      %get3A_225 = arith.index_cast %add3A_224 : i32 to index
      %get3A_226 = arith.constant 0 : index
      %get3A_227 = tpu.vector_load %arg8[%get3A_225, %get3A_226] {strides = array<i32>} : memref<512x64xf32, #tpu.memory_space<vmem>>, vector<1x16xf32>,
      %get3A_228 = vector.shape_cast %get3A_227 : vector<1x16xf32> to vector<16xf32>
      %mul3A_229 = arith.mulf %get3A_220, %get3A_228 : vector<16xf32>
      %add3A_230 = arith.addf %add3A_182, %mul3A_229 : vector<16xf32>
      %mul3A_231 = arith.constant 16 : i32
      %mul3A_232 = arith.muli %scan3A_14, %mul3A_231 : i32
      %add3A_233 = arith.constant 4 : i32
      %add3A_234 = arith.addi %mul3A_232, %add3A_233 : i32
      %get3A_235 = arith.index_cast %add3A_234 : i32 to index
      %get3A_236 = arith.constant 16 : index
      %get3A_237 = tpu.vector_load %arg8[%get3A_235, %get3A_236] {strides = array<i32>} : memref<512x64xf32, #tpu.memory_space<vmem>>, vector<1x16xf32>,
      %get3A_238 = vector.shape_cast %get3A_237 : vector<1x16xf32> to vector<16xf32>
      %mul3A_239 = arith.mulf %get3A_220, %get3A_238 : vector<16xf32>
      %add3A_240 = arith.addf %add3A_192, %mul3A_239 : vector<16xf32>
      %mul3A_241 = arith.constant 16 : i32
      %mul3A_242 = arith.muli %scan3A_14, %mul3A_241 : i32
      %add3A_243 = arith.constant 4 : i32
      %add3A_244 = arith.addi %mul3A_242, %add3A_243 : i32
      %get3A_245 = arith.index_cast %add3A_244 : i32 to index
      %get3A_246 = arith.constant 32 : index
      %get3A_247 = tpu.vector_load %arg8[%get3A_245, %get3A_246] {strides = array<i32>} : memref<512x64xf32, #tpu.memory_space<vmem>>, vector<1x16xf32>,
      %get3A_248 = vector.shape_cast %get3A_247 : vector<1x16xf32> to vector<16xf32>
      %mul3A_249 = arith.mulf %get3A_220, %get3A_248 : vector<16xf32>
      %add3A_250 = arith.addf %add3A_202, %mul3A_249 : vector<16xf32>
      %mul3A_251 = arith.constant 16 : i32
      %mul3A_252 = arith.muli %scan3A_14, %mul3A_251 : i32
      %add3A_253 = arith.constant 4 : i32
      %add3A_254 = arith.addi %mul3A_252, %add3A_253 : i32
      %get3A_255 = arith.index_cast %add3A_254 : i32 to index
      %get3A_256 = arith.constant 48 : index
      %get3A_257 = tpu.vector_load %arg8[%get3A_255, %get3A_256] {strides = array<i32>} : memref<512x64xf32, #tpu.memory_space<vmem>>, vector<1x16xf32>,
      %get3A_258 = vector.shape_cast %get3A_257 : vector<1x16xf32> to vector<16xf32>
      %mul3A_259 = arith.mulf %get3A_220, %get3A_258 : vector<16xf32>
      %add3A_260 = arith.addf %add3A_212, %mul3A_259 : vector<16xf32>
      %mul3A_261 = arith.constant 16 : i32
      %mul3A_262 = arith.muli %scan3A_14, %mul3A_261 : i32
      %add3A_263 = arith.constant 5 : i32
      %add3A_264 = arith.addi %mul3A_262, %add3A_263 : i32
      %get3A_265 = arith.index_cast %add3A_264 : i32 to index
      %get3A_266 = arith.constant 0 : index
      %get3A_267 = tpu.vector_load %arg7[%get3A_265, %get3A_266] {strides = array<i32>} : memref<512x16xf32, #tpu.memory_space<vmem>>, vector<1x16xf32>,
      %get3A_268 = vector.shape_cast %get3A_267 : vector<1x16xf32> to vector<16xf32>
      %mul3A_269 = arith.constant 16 : i32
      %mul3A_270 = arith.muli %scan3A_14, %mul3A_269 : i32
      %add3A_271 = arith.constant 5 : i32
      %add3A_272 = arith.addi %mul3A_270, %add3A_271 : i32
      %get3A_273 = arith.index_cast %add3A_272 : i32 to index
      %get3A_274 = arith.constant 0 : index
      %get3A_275 = tpu.vector_load %arg8[%get3A_273, %get3A_274] {strides = array<i32>} : memref<512x64xf32, #tpu.memory_space<vmem>>, vector<1x16xf32>,
      %get3A_276 = vector.shape_cast %get3A_275 : vector<1x16xf32> to vector<16xf32>
      %mul3A_277 = arith.mulf %get3A_268, %get3A_276 : vector<16xf32>
      %add3A_278 = arith.addf %add3A_230, %mul3A_277 : vector<16xf32>
      %mul3A_279 = arith.constant 16 : i32
      %mul3A_280 = arith.muli %scan3A_14, %mul3A_279 : i32
      %add3A_281 = arith.constant 5 : i32
      %add3A_282 = arith.addi %mul3A_280, %add3A_281 : i32
      %get3A_283 = arith.index_cast %add3A_282 : i32 to index
      %get3A_284 = arith.constant 16 : index
      %get3A_285 = tpu.vector_load %arg8[%get3A_283, %get3A_284] {strides = array<i32>} : memref<512x64xf32, #tpu.memory_space<vmem>>, vector<1x16xf32>,
      %get3A_286 = vector.shape_cast %get3A_285 : vector<1x16xf32> to vector<16xf32>
      %mul3A_287 = arith.mulf %get3A_268, %get3A_286 : vector<16xf32>
      %add3A_288 = arith.addf %add3A_240, %mul3A_287 : vector<16xf32>
      %mul3A_289 = arith.constant 16 : i32
      %mul3A_290 = arith.muli %scan3A_14, %mul3A_289 : i32
      %add3A_291 = arith.constant 5 : i32
      %add3A_292 = arith.addi %mul3A_290, %add3A_291 : i32
      %get3A_293 = arith.index_cast %add3A_292 : i32 to index
      %get3A_294 = arith.constant 32 : index
      %get3A_295 = tpu.vector_load %arg8[%get3A_293, %get3A_294] {strides = array<i32>} : memref<512x64xf32, #tpu.memory_space<vmem>>, vector<1x16xf32>,
      %get3A_296 = vector.shape_cast %get3A_295 : vector<1x16xf32> to vector<16xf32>
      %mul3A_297 = arith.mulf %get3A_268, %get3A_296 : vector<16xf32>
      %add3A_298 = arith.addf %add3A_250, %mul3A_297 : vector<16xf32>
      %mul3A_299 = arith.constant 16 : i32
      %mul3A_300 = arith.muli %scan3A_14, %mul3A_299 : i32
      %add3A_301 = arith.constant 5 : i32
      %add3A_302 = arith.addi %mul3A_300, %add3A_301 : i32
      %get3A_303 = arith.index_cast %add3A_302 : i32 to index
      %get3A_304 = arith.constant 48 : index
      %get3A_305 = tpu.vector_load %arg8[%get3A_303, %get3A_304] {strides = array<i32>} : memref<512x64xf32, #tpu.memory_space<vmem>>, vector<1x16xf32>,
      %get3A_306 = vector.shape_cast %get3A_305 : vector<1x16xf32> to vector<16xf32>
      %mul3A_307 = arith.mulf %get3A_268, %get3A_306 : vector<16xf32>
      %add3A_308 = arith.addf %add3A_260, %mul3A_307 : vector<16xf32>
      %mul3A_309 = arith.constant 16 : i32
      %mul3A_310 = arith.muli %scan3A_14, %mul3A_309 : i32
      %add3A_311 = arith.constant 6 : i32
      %add3A_312 = arith.addi %mul3A_310, %add3A_311 : i32
      %get3A_313 = arith.index_cast %add3A_312 : i32 to index
      %get3A_314 = arith.constant 0 : index
      %get3A_315 = tpu.vector_load %arg7[%get3A_313, %get3A_314] {strides = array<i32>} : memref<512x16xf32, #tpu.memory_space<vmem>>, vector<1x16xf32>,
      %get3A_316 = vector.shape_cast %get3A_315 : vector<1x16xf32> to vector<16xf32>
      %mul3A_317 = arith.constant 16 : i32
      %mul3A_318 = arith.muli %scan3A_14, %mul3A_317 : i32
      %add3A_319 = arith.constant 6 : i32
      %add3A_320 = arith.addi %mul3A_318, %add3A_319 : i32
      %get3A_321 = arith.index_cast %add3A_320 : i32 to index
      %get3A_322 = arith.constant 0 : index
      %get3A_323 = tpu.vector_load %arg8[%get3A_321, %get3A_322] {strides = array<i32>} : memref<512x64xf32, #tpu.memory_space<vmem>>, vector<1x16xf32>,
      %get3A_324 = vector.shape_cast %get3A_323 : vector<1x16xf32> to vector<16xf32>
      %mul3A_325 = arith.mulf %get3A_316, %get3A_324 : vector<16xf32>
      %add3A_326 = arith.addf %add3A_278, %mul3A_325 : vector<16xf32>
      %mul3A_327 = arith.constant 16 : i32
      %mul3A_328 = arith.muli %scan3A_14, %mul3A_327 : i32
      %add3A_329 = arith.constant 6 : i32
      %add3A_330 = arith.addi %mul3A_328, %add3A_329 : i32
      %get3A_331 = arith.index_cast %add3A_330 : i32 to index
      %get3A_332 = arith.constant 16 : index
      %get3A_333 = tpu.vector_load %arg8[%get3A_331, %get3A_332] {strides = array<i32>} : memref<512x64xf32, #tpu.memory_space<vmem>>, vector<1x16xf32>,
      %get3A_334 = vector.shape_cast %get3A_333 : vector<1x16xf32> to vector<16xf32>
      %mul3A_335 = arith.mulf %get3A_316, %get3A_334 : vector<16xf32>
      %add3A_336 = arith.addf %add3A_288, %mul3A_335 : vector<16xf32>
      %mul3A_337 = arith.constant 16 : i32
      %mul3A_338 = arith.muli %scan3A_14, %mul3A_337 : i32
      %add3A_339 = arith.constant 6 : i32
      %add3A_340 = arith.addi %mul3A_338, %add3A_339 : i32
      %get3A_341 = arith.index_cast %add3A_340 : i32 to index
      %get3A_342 = arith.constant 32 : index
      %get3A_343 = tpu.vector_load %arg8[%get3A_341, %get3A_342] {strides = array<i32>} : memref<512x64xf32, #tpu.memory_space<vmem>>, vector<1x16xf32>,
      %get3A_344 = vector.shape_cast %get3A_343 : vector<1x16xf32> to vector<16xf32>
      %mul3A_345 = arith.mulf %get3A_316, %get3A_344 : vector<16xf32>
      %add3A_346 = arith.addf %add3A_298, %mul3A_345 : vector<16xf32>
      %mul3A_347 = arith.constant 16 : i32
      %mul3A_348 = arith.muli %scan3A_14, %mul3A_347 : i32
      %add3A_349 = arith.constant 6 : i32
      %add3A_350 = arith.addi %mul3A_348, %add3A_349 : i32
      %get3A_351 = arith.index_cast %add3A_350 : i32 to index
      %get3A_352 = arith.constant 48 : index
      %get3A_353 = tpu.vector_load %arg8[%get3A_351, %get3A_352] {strides = array<i32>} : memref<512x64xf32, #tpu.memory_space<vmem>>, vector<1x16xf32>,
      %get3A_354 = vector.shape_cast %get3A_353 : vector<1x16xf32> to vector<16xf32>
      %mul3A_355 = arith.mulf %get3A_316, %get3A_354 : vector<16xf32>
      %add3A_356 = arith.addf %add3A_308, %mul3A_355 : vector<16xf32>
      %mul3A_357 = arith.constant 16 : i32
      %mul3A_358 = arith.muli %scan3A_14, %mul3A_357 : i32
      %add3A_359 = arith.constant 7 : i32
      %add3A_360 = arith.addi %mul3A_358, %add3A_359 : i32
      %get3A_361 = arith.index_cast %add3A_360 : i32 to index
      %get3A_362 = arith.constant 0 : index
      %get3A_363 = tpu.vector_load %arg7[%get3A_361, %get3A_362] {strides = array<i32>} : memref<512x16xf32, #tpu.memory_space<vmem>>, vector<1x16xf32>,
      %get3A_364 = vector.shape_cast %get3A_363 : vector<1x16xf32> to vector<16xf32>
      %mul3A_365 = arith.constant 16 : i32
      %mul3A_366 = arith.muli %scan3A_14, %mul3A_365 : i32
      %add3A_367 = arith.constant 7 : i32
      %add3A_368 = arith.addi %mul3A_366, %add3A_367 : i32
      %get3A_369 = arith.index_cast %add3A_368 : i32 to index
      %get3A_370 = arith.constant 0 : index
      %get3A_371 = tpu.vector_load %arg8[%get3A_369, %get3A_370] {strides = array<i32>} : memref<512x64xf32, #tpu.memory_space<vmem>>, vector<1x16xf32>,
      %get3A_372 = vector.shape_cast %get3A_371 : vector<1x16xf32> to vector<16xf32>
      %mul3A_373 = arith.mulf %get3A_364, %get3A_372 : vector<16xf32>
      %add3A_374 = arith.addf %add3A_326, %mul3A_373 : vector<16xf32>
      %mul3A_375 = arith.constant 16 : i32
      %mul3A_376 = arith.muli %scan3A_14, %mul3A_375 : i32
      %add3A_377 = arith.constant 7 : i32
      %add3A_378 = arith.addi %mul3A_376, %add3A_377 : i32
      %get3A_379 = arith.index_cast %add3A_378 : i32 to index
      %get3A_380 = arith.constant 16 : index
      %get3A_381 = tpu.vector_load %arg8[%get3A_379, %get3A_380] {strides = array<i32>} : memref<512x64xf32, #tpu.memory_space<vmem>>, vector<1x16xf32>,
      %get3A_382 = vector.shape_cast %get3A_381 : vector<1x16xf32> to vector<16xf32>
      %mul3A_383 = arith.mulf %get3A_364, %get3A_382 : vector<16xf32>
      %add3A_384 = arith.addf %add3A_336, %mul3A_383 : vector<16xf32>
      %mul3A_385 = arith.constant 16 : i32
      %mul3A_386 = arith.muli %scan3A_14, %mul3A_385 : i32
      %add3A_387 = arith.constant 7 : i32
      %add3A_388 = arith.addi %mul3A_386, %add3A_387 : i32
      %get3A_389 = arith.index_cast %add3A_388 : i32 to index
      %get3A_390 = arith.constant 32 : index
      %get3A_391 = tpu.vector_load %arg8[%get3A_389, %get3A_390] {strides = array<i32>} : memref<512x64xf32, #tpu.memory_space<vmem>>, vector<1x16xf32>,
      %get3A_392 = vector.shape_cast %get3A_391 : vector<1x16xf32> to vector<16xf32>
      %mul3A_393 = arith.mulf %get3A_364, %get3A_392 : vector<16xf32>
      %add3A_394 = arith.addf %add3A_346, %mul3A_393 : vector<16xf32>
      %mul3A_395 = arith.constant 16 : i32
      %mul3A_396 = arith.muli %scan3A_14, %mul3A_395 : i32
      %add3A_397 = arith.constant 7 : i32
      %add3A_398 = arith.addi %mul3A_396, %add3A_397 : i32
      %get3A_399 = arith.index_cast %add3A_398 : i32 to index
      %get3A_400 = arith.constant 48 : index
      %get3A_401 = tpu.vector_load %arg8[%get3A_399, %get3A_400] {strides = array<i32>} : memref<512x64xf32, #tpu.memory_space<vmem>>, vector<1x16xf32>,
      %get3A_402 = vector.shape_cast %get3A_401 : vector<1x16xf32> to vector<16xf32>
      %mul3A_403 = arith.mulf %get3A_364, %get3A_402 : vector<16xf32>
      %add3A_404 = arith.addf %add3A_356, %mul3A_403 : vector<16xf32>
      %mul3A_405 = arith.constant 16 : i32
      %mul3A_406 = arith.muli %scan3A_14, %mul3A_405 : i32
      %add3A_407 = arith.constant 8 : i32
      %add3A_408 = arith.addi %mul3A_406, %add3A_407 : i32
      %get3A_409 = arith.index_cast %add3A_408 : i32 to index
      %get3A_410 = arith.constant 0 : index
      %get3A_411 = tpu.vector_load %arg7[%get3A_409, %get3A_410] {strides = array<i32>} : memref<512x16xf32, #tpu.memory_space<vmem>>, vector<1x16xf32>,
      %get3A_412 = vector.shape_cast %get3A_411 : vector<1x16xf32> to vector<16xf32>
      %mul3A_413 = arith.constant 16 : i32
      %mul3A_414 = arith.muli %scan3A_14, %mul3A_413 : i32
      %add3A_415 = arith.constant 8 : i32
      %add3A_416 = arith.addi %mul3A_414, %add3A_415 : i32
      %get3A_417 = arith.index_cast %add3A_416 : i32 to index
      %get3A_418 = arith.constant 0 : index
      %get3A_419 = tpu.vector_load %arg8[%get3A_417, %get3A_418] {strides = array<i32>} : memref<512x64xf32, #tpu.memory_space<vmem>>, vector<1x16xf32>,
      %get3A_420 = vector.shape_cast %get3A_419 : vector<1x16xf32> to vector<16xf32>
      %mul3A_421 = arith.mulf %get3A_412, %get3A_420 : vector<16xf32>
      %add3A_422 = arith.addf %add3A_374, %mul3A_421 : vector<16xf32>
      %mul3A_423 = arith.constant 16 : i32
      %mul3A_424 = arith.muli %scan3A_14, %mul3A_423 : i32
      %add3A_425 = arith.constant 8 : i32
      %add3A_426 = arith.addi %mul3A_424, %add3A_425 : i32
      %get3A_427 = arith.index_cast %add3A_426 : i32 to index
      %get3A_428 = arith.constant 16 : index
      %get3A_429 = tpu.vector_load %arg8[%get3A_427, %get3A_428] {strides = array<i32>} : memref<512x64xf32, #tpu.memory_space<vmem>>, vector<1x16xf32>,
      %get3A_430 = vector.shape_cast %get3A_429 : vector<1x16xf32> to vector<16xf32>
      %mul3A_431 = arith.mulf %get3A_412, %get3A_430 : vector<16xf32>
      %add3A_432 = arith.addf %add3A_384, %mul3A_431 : vector<16xf32>
      %mul3A_433 = arith.constant 16 : i32
      %mul3A_434 = arith.muli %scan3A_14, %mul3A_433 : i32
      %add3A_435 = arith.constant 8 : i32
      %add3A_436 = arith.addi %mul3A_434, %add3A_435 : i32
      %get3A_437 = arith.index_cast %add3A_436 : i32 to index
      %get3A_438 = arith.constant 32 : index
      %get3A_439 = tpu.vector_load %arg8[%get3A_437, %get3A_438] {strides = array<i32>} : memref<512x64xf32, #tpu.memory_space<vmem>>, vector<1x16xf32>,
      %get3A_440 = vector.shape_cast %get3A_439 : vector<1x16xf32> to vector<16xf32>
      %mul3A_441 = arith.mulf %get3A_412, %get3A_440 : vector<16xf32>
      %add3A_442 = arith.addf %add3A_394, %mul3A_441 : vector<16xf32>
      %mul3A_443 = arith.constant 16 : i32
      %mul3A_444 = arith.muli %scan3A_14, %mul3A_443 : i32
      %add3A_445 = arith.constant 8 : i32
      %add3A_446 = arith.addi %mul3A_444, %add3A_445 : i32
      %get3A_447 = arith.index_cast %add3A_446 : i32 to index
      %get3A_448 = arith.constant 48 : index
      %get3A_449 = tpu.vector_load %arg8[%get3A_447, %get3A_448] {strides = array<i32>} : memref<512x64xf32, #tpu.memory_space<vmem>>, vector<1x16xf32>,
      %get3A_450 = vector.shape_cast %get3A_449 : vector<1x16xf32> to vector<16xf32>
      %mul3A_451 = arith.mulf %get3A_412, %get3A_450 : vector<16xf32>
      %add3A_452 = arith.addf %add3A_404, %mul3A_451 : vector<16xf32>
      %mul3A_453 = arith.constant 16 : i32
      %mul3A_454 = arith.muli %scan3A_14, %mul3A_453 : i32
      %add3A_455 = arith.constant 9 : i32
      %add3A_456 = arith.addi %mul3A_454, %add3A_455 : i32
      %get3A_457 = arith.index_cast %add3A_456 : i32 to index
      %get3A_458 = arith.constant 0 : index
      %get3A_459 = tpu.vector_load %arg7[%get3A_457, %get3A_458] {strides = array<i32>} : memref<512x16xf32, #tpu.memory_space<vmem>>, vector<1x16xf32>,
      %get3A_460 = vector.shape_cast %get3A_459 : vector<1x16xf32> to vector<16xf32>
      %mul3A_461 = arith.constant 16 : i32
      %mul3A_462 = arith.muli %scan3A_14, %mul3A_461 : i32
      %add3A_463 = arith.constant 9 : i32
      %add3A_464 = arith.addi %mul3A_462, %add3A_463 : i32
      %get3A_465 = arith.index_cast %add3A_464 : i32 to index
      %get3A_466 = arith.constant 0 : index
      %get3A_467 = tpu.vector_load %arg8[%get3A_465, %get3A_466] {strides = array<i32>} : memref<512x64xf32, #tpu.memory_space<vmem>>, vector<1x16xf32>,
      %get3A_468 = vector.shape_cast %get3A_467 : vector<1x16xf32> to vector<16xf32>
      %mul3A_469 = arith.mulf %get3A_460, %get3A_468 : vector<16xf32>
      %add3A_470 = arith.addf %add3A_422, %mul3A_469 : vector<16xf32>
      %mul3A_471 = arith.constant 16 : i32
      %mul3A_472 = arith.muli %scan3A_14, %mul3A_471 : i32
      %add3A_473 = arith.constant 9 : i32
      %add3A_474 = arith.addi %mul3A_472, %add3A_473 : i32
      %get3A_475 = arith.index_cast %add3A_474 : i32 to index
      %get3A_476 = arith.constant 16 : index
      %get3A_477 = tpu.vector_load %arg8[%get3A_475, %get3A_476] {strides = array<i32>} : memref<512x64xf32, #tpu.memory_space<vmem>>, vector<1x16xf32>,
      %get3A_478 = vector.shape_cast %get3A_477 : vector<1x16xf32> to vector<16xf32>
      %mul3A_479 = arith.mulf %get3A_460, %get3A_478 : vector<16xf32>
      %add3A_480 = arith.addf %add3A_432, %mul3A_479 : vector<16xf32>
      %mul3A_481 = arith.constant 16 : i32
      %mul3A_482 = arith.muli %scan3A_14, %mul3A_481 : i32
      %add3A_483 = arith.constant 9 : i32
      %add3A_484 = arith.addi %mul3A_482, %add3A_483 : i32
      %get3A_485 = arith.index_cast %add3A_484 : i32 to index
      %get3A_486 = arith.constant 32 : index
      %get3A_487 = tpu.vector_load %arg8[%get3A_485, %get3A_486] {strides = array<i32>} : memref<512x64xf32, #tpu.memory_space<vmem>>, vector<1x16xf32>,
      %get3A_488 = vector.shape_cast %get3A_487 : vector<1x16xf32> to vector<16xf32>
      %mul3A_489 = arith.mulf %get3A_460, %get3A_488 : vector<16xf32>
      %add3A_490 = arith.addf %add3A_442, %mul3A_489 : vector<16xf32>
      %mul3A_491 = arith.constant 16 : i32
      %mul3A_492 = arith.muli %scan3A_14, %mul3A_491 : i32
      %add3A_493 = arith.constant 9 : i32
      %add3A_494 = arith.addi %mul3A_492, %add3A_493 : i32
      %get3A_495 = arith.index_cast %add3A_494 : i32 to index
      %get3A_496 = arith.constant 48 : index
      %get3A_497 = tpu.vector_load %arg8[%get3A_495, %get3A_496] {strides = array<i32>} : memref<512x64xf32, #tpu.memory_space<vmem>>, vector<1x16xf32>,
      %get3A_498 = vector.shape_cast %get3A_497 : vector<1x16xf32> to vector<16xf32>
      %mul3A_499 = arith.mulf %get3A_460, %get3A_498 : vector<16xf32>
      %add3A_500 = arith.addf %add3A_452, %mul3A_499 : vector<16xf32>
      %mul3A_501 = arith.constant 16 : i32
      %mul3A_502 = arith.muli %scan3A_14, %mul3A_501 : i32
      %add3A_503 = arith.constant 10 : i32
      %add3A_504 = arith.addi %mul3A_502, %add3A_503 : i32
      %get3A_505 = arith.index_cast %add3A_504 : i32 to index
      %get3A_506 = arith.constant 0 : index
      %get3A_507 = tpu.vector_load %arg7[%get3A_505, %get3A_506] {strides = array<i32>} : memref<512x16xf32, #tpu.memory_space<vmem>>, vector<1x16xf32>,
      %get3A_508 = vector.shape_cast %get3A_507 : vector<1x16xf32> to vector<16xf32>
      %mul3A_509 = arith.constant 16 : i32
      %mul3A_510 = arith.muli %scan3A_14, %mul3A_509 : i32
      %add3A_511 = arith.constant 10 : i32
      %add3A_512 = arith.addi %mul3A_510, %add3A_511 : i32
      %get3A_513 = arith.index_cast %add3A_512 : i32 to index
      %get3A_514 = arith.constant 0 : index
      %get3A_515 = tpu.vector_load %arg8[%get3A_513, %get3A_514] {strides = array<i32>} : memref<512x64xf32, #tpu.memory_space<vmem>>, vector<1x16xf32>,
      %get3A_516 = vector.shape_cast %get3A_515 : vector<1x16xf32> to vector<16xf32>
      %mul3A_517 = arith.mulf %get3A_508, %get3A_516 : vector<16xf32>
      %add3A_518 = arith.addf %add3A_470, %mul3A_517 : vector<16xf32>
      %mul3A_519 = arith.constant 16 : i32
      %mul3A_520 = arith.muli %scan3A_14, %mul3A_519 : i32
      %add3A_521 = arith.constant 10 : i32
      %add3A_522 = arith.addi %mul3A_520, %add3A_521 : i32
      %get3A_523 = arith.index_cast %add3A_522 : i32 to index
      %get3A_524 = arith.constant 16 : index
      %get3A_525 = tpu.vector_load %arg8[%get3A_523, %get3A_524] {strides = array<i32>} : memref<512x64xf32, #tpu.memory_space<vmem>>, vector<1x16xf32>,
      %get3A_526 = vector.shape_cast %get3A_525 : vector<1x16xf32> to vector<16xf32>
      %mul3A_527 = arith.mulf %get3A_508, %get3A_526 : vector<16xf32>
      %add3A_528 = arith.addf %add3A_480, %mul3A_527 : vector<16xf32>
      %mul3A_529 = arith.constant 16 : i32
      %mul3A_530 = arith.muli %scan3A_14, %mul3A_529 : i32
      %add3A_531 = arith.constant 10 : i32
      %add3A_532 = arith.addi %mul3A_530, %add3A_531 : i32
      %get3A_533 = arith.index_cast %add3A_532 : i32 to index
      %get3A_534 = arith.constant 32 : index
      %get3A_535 = tpu.vector_load %arg8[%get3A_533, %get3A_534] {strides = array<i32>} : memref<512x64xf32, #tpu.memory_space<vmem>>, vector<1x16xf32>,
      %get3A_536 = vector.shape_cast %get3A_535 : vector<1x16xf32> to vector<16xf32>
      %mul3A_537 = arith.mulf %get3A_508, %get3A_536 : vector<16xf32>
      %add3A_538 = arith.addf %add3A_490, %mul3A_537 : vector<16xf32>
      %mul3A_539 = arith.constant 16 : i32
      %mul3A_540 = arith.muli %scan3A_14, %mul3A_539 : i32
      %add3A_541 = arith.constant 10 : i32
      %add3A_542 = arith.addi %mul3A_540, %add3A_541 : i32
      %get3A_543 = arith.index_cast %add3A_542 : i32 to index
      %get3A_544 = arith.constant 48 : index
      %get3A_545 = tpu.vector_load %arg8[%get3A_543, %get3A_544] {strides = array<i32>} : memref<512x64xf32, #tpu.memory_space<vmem>>, vector<1x16xf32>,
      %get3A_546 = vector.shape_cast %get3A_545 : vector<1x16xf32> to vector<16xf32>
      %mul3A_547 = arith.mulf %get3A_508, %get3A_546 : vector<16xf32>
      %add3A_548 = arith.addf %add3A_500, %mul3A_547 : vector<16xf32>
      %mul3A_549 = arith.constant 16 : i32
      %mul3A_550 = arith.muli %scan3A_14, %mul3A_549 : i32
      %add3A_551 = arith.constant 11 : i32
      %add3A_552 = arith.addi %mul3A_550, %add3A_551 : i32
      %get3A_553 = arith.index_cast %add3A_552 : i32 to index
      %get3A_554 = arith.constant 0 : index
      %get3A_555 = tpu.vector_load %arg7[%get3A_553, %get3A_554] {strides = array<i32>} : memref<512x16xf32, #tpu.memory_space<vmem>>, vector<1x16xf32>,
      %get3A_556 = vector.shape_cast %get3A_555 : vector<1x16xf32> to vector<16xf32>
      %mul3A_557 = arith.constant 16 : i32
      %mul3A_558 = arith.muli %scan3A_14, %mul3A_557 : i32
      %add3A_559 = arith.constant 11 : i32
      %add3A_560 = arith.addi %mul3A_558, %add3A_559 : i32
      %get3A_561 = arith.index_cast %add3A_560 : i32 to index
      %get3A_562 = arith.constant 0 : index
      %get3A_563 = tpu.vector_load %arg8[%get3A_561, %get3A_562] {strides = array<i32>} : memref<512x64xf32, #tpu.memory_space<vmem>>, vector<1x16xf32>,
      %get3A_564 = vector.shape_cast %get3A_563 : vector<1x16xf32> to vector<16xf32>
      %mul3A_565 = arith.mulf %get3A_556, %get3A_564 : vector<16xf32>
      %add3A_566 = arith.addf %add3A_518, %mul3A_565 : vector<16xf32>
      %mul3A_567 = arith.constant 16 : i32
      %mul3A_568 = arith.muli %scan3A_14, %mul3A_567 : i32
      %add3A_569 = arith.constant 11 : i32
      %add3A_570 = arith.addi %mul3A_568, %add3A_569 : i32
      %get3A_571 = arith.index_cast %add3A_570 : i32 to index
      %get3A_572 = arith.constant 16 : index
      %get3A_573 = tpu.vector_load %arg8[%get3A_571, %get3A_572] {strides = array<i32>} : memref<512x64xf32, #tpu.memory_space<vmem>>, vector<1x16xf32>,
      %get3A_574 = vector.shape_cast %get3A_573 : vector<1x16xf32> to vector<16xf32>
      %mul3A_575 = arith.mulf %get3A_556, %get3A_574 : vector<16xf32>
      %add3A_576 = arith.addf %add3A_528, %mul3A_575 : vector<16xf32>
      %mul3A_577 = arith.constant 16 : i32
      %mul3A_578 = arith.muli %scan3A_14, %mul3A_577 : i32
      %add3A_579 = arith.constant 11 : i32
      %add3A_580 = arith.addi %mul3A_578, %add3A_579 : i32
      %get3A_581 = arith.index_cast %add3A_580 : i32 to index
      %get3A_582 = arith.constant 32 : index
      %get3A_583 = tpu.vector_load %arg8[%get3A_581, %get3A_582] {strides = array<i32>} : memref<512x64xf32, #tpu.memory_space<vmem>>, vector<1x16xf32>,
      %get3A_584 = vector.shape_cast %get3A_583 : vector<1x16xf32> to vector<16xf32>
      %mul3A_585 = arith.mulf %get3A_556, %get3A_584 : vector<16xf32>
      %add3A_586 = arith.addf %add3A_538, %mul3A_585 : vector<16xf32>
      %mul3A_587 = arith.constant 16 : i32
      %mul3A_588 = arith.muli %scan3A_14, %mul3A_587 : i32
      %add3A_589 = arith.constant 11 : i32
      %add3A_590 = arith.addi %mul3A_588, %add3A_589 : i32
      %get3A_591 = arith.index_cast %add3A_590 : i32 to index
      %get3A_592 = arith.constant 48 : index
      %get3A_593 = tpu.vector_load %arg8[%get3A_591, %get3A_592] {strides = array<i32>} : memref<512x64xf32, #tpu.memory_space<vmem>>, vector<1x16xf32>,
      %get3A_594 = vector.shape_cast %get3A_593 : vector<1x16xf32> to vector<16xf32>
      %mul3A_595 = arith.mulf %get3A_556, %get3A_594 : vector<16xf32>
      %add3A_596 = arith.addf %add3A_548, %mul3A_595 : vector<16xf32>
      %mul3A_597 = arith.constant 16 : i32
      %mul3A_598 = arith.muli %scan3A_14, %mul3A_597 : i32
      %add3A_599 = arith.constant 12 : i32
      %add3A_600 = arith.addi %mul3A_598, %add3A_599 : i32
      %get3A_601 = arith.index_cast %add3A_600 : i32 to index
      %get3A_602 = arith.constant 0 : index
      %get3A_603 = tpu.vector_load %arg7[%get3A_601, %get3A_602] {strides = array<i32>} : memref<512x16xf32, #tpu.memory_space<vmem>>, vector<1x16xf32>,
      %get3A_604 = vector.shape_cast %get3A_603 : vector<1x16xf32> to vector<16xf32>
      %mul3A_605 = arith.constant 16 : i32
      %mul3A_606 = arith.muli %scan3A_14, %mul3A_605 : i32
      %add3A_607 = arith.constant 12 : i32
      %add3A_608 = arith.addi %mul3A_606, %add3A_607 : i32
      %get3A_609 = arith.index_cast %add3A_608 : i32 to index
      %get3A_610 = arith.constant 0 : index
      %get3A_611 = tpu.vector_load %arg8[%get3A_609, %get3A_610] {strides = array<i32>} : memref<512x64xf32, #tpu.memory_space<vmem>>, vector<1x16xf32>,
      %get3A_612 = vector.shape_cast %get3A_611 : vector<1x16xf32> to vector<16xf32>
      %mul3A_613 = arith.mulf %get3A_604, %get3A_612 : vector<16xf32>
      %add3A_614 = arith.addf %add3A_566, %mul3A_613 : vector<16xf32>
      %mul3A_615 = arith.constant 16 : i32
      %mul3A_616 = arith.muli %scan3A_14, %mul3A_615 : i32
      %add3A_617 = arith.constant 12 : i32
      %add3A_618 = arith.addi %mul3A_616, %add3A_617 : i32
      %get3A_619 = arith.index_cast %add3A_618 : i32 to index
      %get3A_620 = arith.constant 16 : index
      %get3A_621 = tpu.vector_load %arg8[%get3A_619, %get3A_620] {strides = array<i32>} : memref<512x64xf32, #tpu.memory_space<vmem>>, vector<1x16xf32>,
      %get3A_622 = vector.shape_cast %get3A_621 : vector<1x16xf32> to vector<16xf32>
      %mul3A_623 = arith.mulf %get3A_604, %get3A_622 : vector<16xf32>
      %add3A_624 = arith.addf %add3A_576, %mul3A_623 : vector<16xf32>
      %mul3A_625 = arith.constant 16 : i32
      %mul3A_626 = arith.muli %scan3A_14, %mul3A_625 : i32
      %add3A_627 = arith.constant 12 : i32
      %add3A_628 = arith.addi %mul3A_626, %add3A_627 : i32
      %get3A_629 = arith.index_cast %add3A_628 : i32 to index
      %get3A_630 = arith.constant 32 : index
      %get3A_631 = tpu.vector_load %arg8[%get3A_629, %get3A_630] {strides = array<i32>} : memref<512x64xf32, #tpu.memory_space<vmem>>, vector<1x16xf32>,
      %get3A_632 = vector.shape_cast %get3A_631 : vector<1x16xf32> to vector<16xf32>
      %mul3A_633 = arith.mulf %get3A_604, %get3A_632 : vector<16xf32>
      %add3A_634 = arith.addf %add3A_586, %mul3A_633 : vector<16xf32>
      %mul3A_635 = arith.constant 16 : i32
      %mul3A_636 = arith.muli %scan3A_14, %mul3A_635 : i32
      %add3A_637 = arith.constant 12 : i32
      %add3A_638 = arith.addi %mul3A_636, %add3A_637 : i32
      %get3A_639 = arith.index_cast %add3A_638 : i32 to index
      %get3A_640 = arith.constant 48 : index
      %get3A_641 = tpu.vector_load %arg8[%get3A_639, %get3A_640] {strides = array<i32>} : memref<512x64xf32, #tpu.memory_space<vmem>>, vector<1x16xf32>,
      %get3A_642 = vector.shape_cast %get3A_641 : vector<1x16xf32> to vector<16xf32>
      %mul3A_643 = arith.mulf %get3A_604, %get3A_642 : vector<16xf32>
      %add3A_644 = arith.addf %add3A_596, %mul3A_643 : vector<16xf32>
      %mul3A_645 = arith.constant 16 : i32
      %mul3A_646 = arith.muli %scan3A_14, %mul3A_645 : i32
      %add3A_647 = arith.constant 13 : i32
      %add3A_648 = arith.addi %mul3A_646, %add3A_647 : i32
      %get3A_649 = arith.index_cast %add3A_648 : i32 to index
      %get3A_650 = arith.constant 0 : index
      %get3A_651 = tpu.vector_load %arg7[%get3A_649, %get3A_650] {strides = array<i32>} : memref<512x16xf32, #tpu.memory_space<vmem>>, vector<1x16xf32>,
      %get3A_652 = vector.shape_cast %get3A_651 : vector<1x16xf32> to vector<16xf32>
      %mul3A_653 = arith.constant 16 : i32
      %mul3A_654 = arith.muli %scan3A_14, %mul3A_653 : i32
      %add3A_655 = arith.constant 13 : i32
      %add3A_656 = arith.addi %mul3A_654, %add3A_655 : i32
      %get3A_657 = arith.index_cast %add3A_656 : i32 to index
      %get3A_658 = arith.constant 0 : index
      %get3A_659 = tpu.vector_load %arg8[%get3A_657, %get3A_658] {strides = array<i32>} : memref<512x64xf32, #tpu.memory_space<vmem>>, vector<1x16xf32>,
      %get3A_660 = vector.shape_cast %get3A_659 : vector<1x16xf32> to vector<16xf32>
      %mul3A_661 = arith.mulf %get3A_652, %get3A_660 : vector<16xf32>
      %add3A_662 = arith.addf %add3A_614, %mul3A_661 : vector<16xf32>
      %mul3A_663 = arith.constant 16 : i32
      %mul3A_664 = arith.muli %scan3A_14, %mul3A_663 : i32
      %add3A_665 = arith.constant 13 : i32
      %add3A_666 = arith.addi %mul3A_664, %add3A_665 : i32
      %get3A_667 = arith.index_cast %add3A_666 : i32 to index
      %get3A_668 = arith.constant 16 : index
      %get3A_669 = tpu.vector_load %arg8[%get3A_667, %get3A_668] {strides = array<i32>} : memref<512x64xf32, #tpu.memory_space<vmem>>, vector<1x16xf32>,
      %get3A_670 = vector.shape_cast %get3A_669 : vector<1x16xf32> to vector<16xf32>
      %mul3A_671 = arith.mulf %get3A_652, %get3A_670 : vector<16xf32>
      %add3A_672 = arith.addf %add3A_624, %mul3A_671 : vector<16xf32>
      %mul3A_673 = arith.constant 16 : i32
      %mul3A_674 = arith.muli %scan3A_14, %mul3A_673 : i32
      %add3A_675 = arith.constant 13 : i32
      %add3A_676 = arith.addi %mul3A_674, %add3A_675 : i32
      %get3A_677 = arith.index_cast %add3A_676 : i32 to index
      %get3A_678 = arith.constant 32 : index
      %get3A_679 = tpu.vector_load %arg8[%get3A_677, %get3A_678] {strides = array<i32>} : memref<512x64xf32, #tpu.memory_space<vmem>>, vector<1x16xf32>,
      %get3A_680 = vector.shape_cast %get3A_679 : vector<1x16xf32> to vector<16xf32>
      %mul3A_681 = arith.mulf %get3A_652, %get3A_680 : vector<16xf32>
      %add3A_682 = arith.addf %add3A_634, %mul3A_681 : vector<16xf32>
      %mul3A_683 = arith.constant 16 : i32
      %mul3A_684 = arith.muli %scan3A_14, %mul3A_683 : i32
      %add3A_685 = arith.constant 13 : i32
      %add3A_686 = arith.addi %mul3A_684, %add3A_685 : i32
      %get3A_687 = arith.index_cast %add3A_686 : i32 to index
      %get3A_688 = arith.constant 48 : index
      %get3A_689 = tpu.vector_load %arg8[%get3A_687, %get3A_688] {strides = array<i32>} : memref<512x64xf32, #tpu.memory_space<vmem>>, vector<1x16xf32>,
      %get3A_690 = vector.shape_cast %get3A_689 : vector<1x16xf32> to vector<16xf32>
      %mul3A_691 = arith.mulf %get3A_652, %get3A_690 : vector<16xf32>
      %add3A_692 = arith.addf %add3A_644, %mul3A_691 : vector<16xf32>
      %mul3A_693 = arith.constant 16 : i32
      %mul3A_694 = arith.muli %scan3A_14, %mul3A_693 : i32
      %add3A_695 = arith.constant 14 : i32
      %add3A_696 = arith.addi %mul3A_694, %add3A_695 : i32
      %get3A_697 = arith.index_cast %add3A_696 : i32 to index
      %get3A_698 = arith.constant 0 : index
      %get3A_699 = tpu.vector_load %arg7[%get3A_697, %get3A_698] {strides = array<i32>} : memref<512x16xf32, #tpu.memory_space<vmem>>, vector<1x16xf32>,
      %get3A_700 = vector.shape_cast %get3A_699 : vector<1x16xf32> to vector<16xf32>
      %mul3A_701 = arith.constant 16 : i32
      %mul3A_702 = arith.muli %scan3A_14, %mul3A_701 : i32
      %add3A_703 = arith.constant 14 : i32
      %add3A_704 = arith.addi %mul3A_702, %add3A_703 : i32
      %get3A_705 = arith.index_cast %add3A_704 : i32 to index
      %get3A_706 = arith.constant 0 : index
      %get3A_707 = tpu.vector_load %arg8[%get3A_705, %get3A_706] {strides = array<i32>} : memref<512x64xf32, #tpu.memory_space<vmem>>, vector<1x16xf32>,
      %get3A_708 = vector.shape_cast %get3A_707 : vector<1x16xf32> to vector<16xf32>
      %mul3A_709 = arith.mulf %get3A_700, %get3A_708 : vector<16xf32>
      %add3A_710 = arith.addf %add3A_662, %mul3A_709 : vector<16xf32>
      %mul3A_711 = arith.constant 16 : i32
      %mul3A_712 = arith.muli %scan3A_14, %mul3A_711 : i32
      %add3A_713 = arith.constant 14 : i32
      %add3A_714 = arith.addi %mul3A_712, %add3A_713 : i32
      %get3A_715 = arith.index_cast %add3A_714 : i32 to index
      %get3A_716 = arith.constant 16 : index
      %get3A_717 = tpu.vector_load %arg8[%get3A_715, %get3A_716] {strides = array<i32>} : memref<512x64xf32, #tpu.memory_space<vmem>>, vector<1x16xf32>,
      %get3A_718 = vector.shape_cast %get3A_717 : vector<1x16xf32> to vector<16xf32>
      %mul3A_719 = arith.mulf %get3A_700, %get3A_718 : vector<16xf32>
      %add3A_720 = arith.addf %add3A_672, %mul3A_719 : vector<16xf32>
      %mul3A_721 = arith.constant 16 : i32
      %mul3A_722 = arith.muli %scan3A_14, %mul3A_721 : i32
      %add3A_723 = arith.constant 14 : i32
      %add3A_724 = arith.addi %mul3A_722, %add3A_723 : i32
      %get3A_725 = arith.index_cast %add3A_724 : i32 to index
      %get3A_726 = arith.constant 32 : index
      %get3A_727 = tpu.vector_load %arg8[%get3A_725, %get3A_726] {strides = array<i32>} : memref<512x64xf32, #tpu.memory_space<vmem>>, vector<1x16xf32>,
      %get3A_728 = vector.shape_cast %get3A_727 : vector<1x16xf32> to vector<16xf32>
      %mul3A_729 = arith.mulf %get3A_700, %get3A_728 : vector<16xf32>
      %add3A_730 = arith.addf %add3A_682, %mul3A_729 : vector<16xf32>
      %mul3A_731 = arith.constant 16 : i32
      %mul3A_732 = arith.muli %scan3A_14, %mul3A_731 : i32
      %add3A_733 = arith.constant 14 : i32
      %add3A_734 = arith.addi %mul3A_732, %add3A_733 : i32
      %get3A_735 = arith.index_cast %add3A_734 : i32 to index
      %get3A_736 = arith.constant 48 : index
      %get3A_737 = tpu.vector_load %arg8[%get3A_735, %get3A_736] {strides = array<i32>} : memref<512x64xf32, #tpu.memory_space<vmem>>, vector<1x16xf32>,
      %get3A_738 = vector.shape_cast %get3A_737 : vector<1x16xf32> to vector<16xf32>
      %mul3A_739 = arith.mulf %get3A_700, %get3A_738 : vector<16xf32>
      %add3A_740 = arith.addf %add3A_692, %mul3A_739 : vector<16xf32>
      %mul3A_741 = arith.constant 16 : i32
      %mul3A_742 = arith.muli %scan3A_14, %mul3A_741 : i32
      %add3A_743 = arith.constant 15 : i32
      %add3A_744 = arith.addi %mul3A_742, %add3A_743 : i32
      %get3A_745 = arith.index_cast %add3A_744 : i32 to index
      %get3A_746 = arith.constant 0 : index
      %get3A_747 = tpu.vector_load %arg7[%get3A_745, %get3A_746] {strides = array<i32>} : memref<512x16xf32, #tpu.memory_space<vmem>>, vector<1x16xf32>,
      %get3A_748 = vector.shape_cast %get3A_747 : vector<1x16xf32> to vector<16xf32>
      %mul3A_749 = arith.constant 16 : i32
      %mul3A_750 = arith.muli %scan3A_14, %mul3A_749 : i32
      %add3A_751 = arith.constant 15 : i32
      %add3A_752 = arith.addi %mul3A_750, %add3A_751 : i32
      %get3A_753 = arith.index_cast %add3A_752 : i32 to index
      %get3A_754 = arith.constant 0 : index
      %get3A_755 = tpu.vector_load %arg8[%get3A_753, %get3A_754] {strides = array<i32>} : memref<512x64xf32, #tpu.memory_space<vmem>>, vector<1x16xf32>,
      %get3A_756 = vector.shape_cast %get3A_755 : vector<1x16xf32> to vector<16xf32>
      %mul3A_757 = arith.mulf %get3A_748, %get3A_756 : vector<16xf32>
      %add3A_758 = arith.addf %add3A_710, %mul3A_757 : vector<16xf32>
      %mul3A_759 = arith.constant 16 : i32
      %mul3A_760 = arith.muli %scan3A_14, %mul3A_759 : i32
      %add3A_761 = arith.constant 15 : i32
      %add3A_762 = arith.addi %mul3A_760, %add3A_761 : i32
      %get3A_763 = arith.index_cast %add3A_762 : i32 to index
      %get3A_764 = arith.constant 16 : index
      %get3A_765 = tpu.vector_load %arg8[%get3A_763, %get3A_764] {strides = array<i32>} : memref<512x64xf32, #tpu.memory_space<vmem>>, vector<1x16xf32>,
      %get3A_766 = vector.shape_cast %get3A_765 : vector<1x16xf32> to vector<16xf32>
      %mul3A_767 = arith.mulf %get3A_748, %get3A_766 : vector<16xf32>
      %add3A_768 = arith.addf %add3A_720, %mul3A_767 : vector<16xf32>
      %mul3A_769 = arith.constant 16 : i32
      %mul3A_770 = arith.muli %scan3A_14, %mul3A_769 : i32
      %add3A_771 = arith.constant 15 : i32
      %add3A_772 = arith.addi %mul3A_770, %add3A_771 : i32
      %get3A_773 = arith.index_cast %add3A_772 : i32 to index
      %get3A_774 = arith.constant 32 : index
      %get3A_775 = tpu.vector_load %arg8[%get3A_773, %get3A_774] {strides = array<i32>} : memref<512x64xf32, #tpu.memory_space<vmem>>, vector<1x16xf32>,
      %get3A_776 = vector.shape_cast %get3A_775 : vector<1x16xf32> to vector<16xf32>
      %mul3A_777 = arith.mulf %get3A_748, %get3A_776 : vector<16xf32>
      %add3A_778 = arith.addf %add3A_730, %mul3A_777 : vector<16xf32>
      %mul3A_779 = arith.constant 16 : i32
      %mul3A_780 = arith.muli %scan3A_14, %mul3A_779 : i32
      %add3A_781 = arith.constant 15 : i32
      %add3A_782 = arith.addi %mul3A_780, %add3A_781 : i32
      %get3A_783 = arith.index_cast %add3A_782 : i32 to index
      %get3A_784 = arith.constant 48 : index
      %get3A_785 = tpu.vector_load %arg8[%get3A_783, %get3A_784] {strides = array<i32>} : memref<512x64xf32, #tpu.memory_space<vmem>>, vector<1x16xf32>,
      %get3A_786 = vector.shape_cast %get3A_785 : vector<1x16xf32> to vector<16xf32>
      %mul3A_787 = arith.mulf %get3A_748, %get3A_786 : vector<16xf32>
      %add3A_788 = arith.addf %add3A_740, %mul3A_787 : vector<16xf32>
      %swap3A = arith.index_cast %scan3A_14 : i32 to index
      %swap3A_789 = arith.constant 0 : index
      %swap3A_790 = tpu.vector_load %arg9[%swap3A, %swap3A_789] {strides = array<i32>} : memref<32x64xf32, #tpu.memory_space<vmem>>, vector<1x16xf32>,
      %swap3A_791 = vector.shape_cast %swap3A_790 : vector<1x16xf32> to vector<16xf32>
      %swap3A_792 = vector.shape_cast %add3A_758 : vector<16xf32> to vector<1x16xf32>
      tpu.vector_store %arg9[%swap3A, %swap3A_789], %swap3A_792 {strides = array<i32>} : memref<32x64xf32, #tpu.memory_space<vmem>>, vector<1x16xf32>,
      %swap3A_793 = arith.index_cast %scan3A_14 : i32 to index
      %swap3A_794 = arith.constant 16 : index
      %swap3A_795 = tpu.vector_load %arg9[%swap3A_793, %swap3A_794] {strides = array<i32>} : memref<32x64xf32, #tpu.memory_space<vmem>>, vector<1x16xf32>,
      %swap3A_796 = vector.shape_cast %swap3A_795 : vector<1x16xf32> to vector<16xf32>
      %swap3A_797 = vector.shape_cast %add3A_768 : vector<16xf32> to vector<1x16xf32>
      tpu.vector_store %arg9[%swap3A_793, %swap3A_794], %swap3A_797 {strides = array<i32>} : memref<32x64xf32, #tpu.memory_space<vmem>>, vector<1x16xf32>,
      %swap3A_798 = arith.index_cast %scan3A_14 : i32 to index
      %swap3A_799 = arith.constant 32 : index
      %swap3A_800 = tpu.vector_load %arg9[%swap3A_798, %swap3A_799] {strides = array<i32>} : memref<32x64xf32, #tpu.memory_space<vmem>>, vector<1x16xf32>,
      %swap3A_801 = vector.shape_cast %swap3A_800 : vector<1x16xf32> to vector<16xf32>
      %swap3A_802 = vector.shape_cast %add3A_778 : vector<16xf32> to vector<1x16xf32>
      tpu.vector_store %arg9[%swap3A_798, %swap3A_799], %swap3A_802 {strides = array<i32>} : memref<32x64xf32, #tpu.memory_space<vmem>>, vector<1x16xf32>,
      %swap3A_803 = arith.index_cast %scan3A_14 : i32 to index
      %swap3A_804 = arith.constant 48 : index
      %swap3A_805 = tpu.vector_load %arg9[%swap3A_803, %swap3A_804] {strides = array<i32>} : memref<32x64xf32, #tpu.memory_space<vmem>>, vector<1x16xf32>,
      %swap3A_806 = vector.shape_cast %swap3A_805 : vector<1x16xf32> to vector<16xf32>
      %swap3A_807 = vector.shape_cast %add3A_788 : vector<16xf32> to vector<1x16xf32>
      tpu.vector_store %arg9[%swap3A_803, %swap3A_804], %swap3A_807 {strides = array<i32>} : memref<32x64xf32, #tpu.memory_space<vmem>>, vector<1x16xf32>,
    }
    %scan3A_11 = arith.constant 32 : i32
    %mul3A_12 = arith.constant 32 : i32
    %mul3A_13 = arith.muli %add3A, %mul3A_12 : i32
    "tpu.region"() ({
      %run_scoped3A = tpu.sem_alloc : memref<!tpu.dma_semaphore, #tpu.memory_space<semaphore_mem>>
      %dma_start3A_14 = arith.constant 0 : i32
      %dma_start3A_15 = tpu.memref_slice %arg5[%mul3A_13, %dma_start3A_14] : memref<1024x64xf32, #tpu.memory_space<hbm>> -> memref<32x64xf32, #tpu.memory_space<hbm>>
      %dma_start3A_16 = arith.constant 0 : i32
      %dma_start3A_17 = tpu.memref_slice %arg5[%mul3A_13, %dma_start3A_16] : memref<1024x64xf32, #tpu.memory_space<hbm>> -> memref<32x64xf32, #tpu.memory_space<hbm>>
      tpu.enqueue_dma source(%arg9 : memref<32x64xf32, #tpu.memory_space<vmem>>) target(%dma_start3A_17 : memref<32x64xf32, #tpu.memory_space<hbm>>) target_semaphore(%run_scoped3A : memref<!tpu.dma_semaphore, #tpu.memory_space<semaphore_mem>>)
      %dma_wait3A_18 = arith.constant 0 : i32
      %dma_wait3A_19 = tpu.memref_slice %arg5[%mul3A_13, %dma_wait3A_18] : memref<1024x64xf32, #tpu.memory_space<hbm>> -> memref<32x64xf32, #tpu.memory_space<hbm>>
      %dma_wait3A_20 = arith.constant 0 : i32
      %dma_wait3A_21 = tpu.memref_slice %arg5[%mul3A_13, %dma_wait3A_20] : memref<1024x64xf32, #tpu.memory_space<hbm>> -> memref<32x64xf32, #tpu.memory_space<hbm>>
      tpu.wait_dma2 semaphore(%run_scoped3A : memref<!tpu.dma_semaphore, #tpu.memory_space<semaphore_mem>>) src(%arg9 : memref<32x64xf32, #tpu.memory_space<vmem>>) dst(%dma_wait3A_21 : memref<32x64xf32, #tpu.memory_space<hbm>>)
      tpu.yield
    }) : () -> ()
    return
  }
}

module attributes {stable_mosaic.version = 14 : i64} {
  func.func @_topk_body(%arg0: i32, %arg1: memref<1024x64xf32, #tpu.memory_space<vmem>>, %arg2: memref<1000x64xf32, #tpu.memory_space<vmem>>, %arg3: memref<1024x1xf32, #tpu.memory_space<vmem>>, %arg4: memref<100x1000xf32, #tpu.memory_space<vmem>>, %arg5: memref<1024x16xf32, #tpu.memory_space<vmem>>, %arg6: memref<1024x16xi32, #tpu.memory_space<vmem>>, %arg7: memref<1024x16x16xf32, #tpu.memory_space<vmem>>, %arg8: memref<1024x1000xf32, #tpu.memory_space<vmem>>, %arg9: memref<1024x16xf32, #tpu.memory_space<vmem>>, %arg10: memref<1024x16xi32, #tpu.memory_space<vmem>>) attributes {dimension_semantics = [#tpu.dimension_semantics<arbitrary>], iteration_bounds = array<i64: 100>, scalar_prefetch = 0 : i64, scratch_operands = 3 : i64, tpu.core_type = #tpu.core_type<tc>, window_params = [{pipeline_mode = #tpu.pipeline_mode<synchronous>, transform_indices = @transform_0, window_bounds = array<i64: 1024, 64>}, {transform_indices = @transform_1, window_bounds = array<i64: 1000, 64>}, {pipeline_mode = #tpu.pipeline_mode<synchronous>, transform_indices = @transform_2, window_bounds = array<i64: 1024, 1>}, {pipeline_mode = #tpu.pipeline_mode<synchronous>, transform_indices = @transform_3, window_bounds = array<i64: 100, 1000>}, {pipeline_mode = #tpu.pipeline_mode<synchronous>, transform_indices = @transform_4, window_bounds = array<i64: 1024, 16>}, {pipeline_mode = #tpu.pipeline_mode<synchronous>, transform_indices = @transform_5, window_bounds = array<i64: 1024, 16>}, {pipeline_mode = #tpu.pipeline_mode<synchronous>, transform_indices = @transform_6, window_bounds = array<i64: 1024, 16, 16>}]} {
    %eq3A = arith.constant 0 : i32
    %eq3A_0 = arith.cmpi eq, %arg0, %eq3A : i32
    %convert_element_type3A = arith.extui %eq3A_0 : i1 to i32
    %cond3A = arith.constant 0 : i32
    %cond3A_1 = arith.cmpi ne, %convert_element_type3A, %cond3A : i32
    scf.if %cond3A_1 {
      %broadcast_in_dim3A = arith.constant 0x7F800000 : f32
      %broadcast_in_dim3A_28 = vector.broadcast %broadcast_in_dim3A : f32 to vector<1024x16xf32>
      %swap3A_29 = arith.constant 0 : index
      %swap3A_30 = arith.constant 0 : index
      %swap3A_31 = vector.load %arg9[%swap3A_29, %swap3A_30] : memref<1024x16xf32, #tpu.memory_space<vmem>>, vector<1024x16xf32>
      tpu.vector_store %arg9[%swap3A_29, %swap3A_30], %broadcast_in_dim3A_28 {strides = array<i32>} : memref<1024x16xf32, #tpu.memory_space<vmem>>, vector<1024x16xf32>,
      %broadcast_in_dim3A_32 = arith.constant 0 : i32
      %broadcast_in_dim3A_33 = vector.broadcast %broadcast_in_dim3A_32 : i32 to vector<1024x16xi32>
      %swap3A_34 = arith.constant 0 : index
      %swap3A_35 = arith.constant 0 : index
      %swap3A_36 = vector.load %arg10[%swap3A_34, %swap3A_35] : memref<1024x16xi32, #tpu.memory_space<vmem>>, vector<1024x16xi32>
      tpu.vector_store %arg10[%swap3A_34, %swap3A_35], %broadcast_in_dim3A_33 {strides = array<i32>} : memref<1024x16xi32, #tpu.memory_space<vmem>>, vector<1024x16xi32>,
    } else {
    }
    %get3A = arith.constant 0 : index
    %get3A_2 = arith.constant 0 : index
    %get3A_3 = vector.load %arg1[%get3A, %get3A_2] : memref<1024x64xf32, #tpu.memory_space<vmem>>, vector<1024x64xf32>
    %get3A_4 = arith.constant 0 : index
    %get3A_5 = arith.constant 0 : index
    %get3A_6 = vector.load %arg2[%get3A_4, %get3A_5] : memref<1000x64xf32, #tpu.memory_space<vmem>>, vector<1000x64xf32>
    %dot_general3A = arith.constant dense<0.000000e+00> : vector<1024x1000xf32>
    %dot_general3A_7 = tpu.matmul %get3A_3, %get3A_6, %dot_general3A {dimension_numbers = #tpu.dot_dimension_numbers<[1], [1], [0], [0], [0, 0, 1, 0], [], []>, transpose_lhs_hint = false} : vector<1024x64xf32>, vector<1000x64xf32>, vector<1024x1000xf32> -> vector<1024x1000xf32>
    %get3A_8 = arith.constant 0 : index
    %get3A_9 = arith.constant 0 : index
    %get3A_10 = vector.load %arg3[%get3A_8, %get3A_9] : memref<1024x1xf32, #tpu.memory_space<vmem>>, vector<1024x1xf32>
    %get3A_11 = arith.index_cast %arg0 : i32 to index
    %get3A_12 = arith.constant 0 : index
    %get3A_13 = vector.load %arg4[%get3A_11, %get3A_12] : memref<100x1000xf32, #tpu.memory_space<vmem>>, vector<1x1000xf32>
    %add3A = vector.broadcast %get3A_10 : vector<1024x1xf32> to vector<1024x1000xf32>
    %add3A_14 = vector.broadcast %get3A_13 : vector<1x1000xf32> to vector<1024x1000xf32>
    %add3A_15 = arith.addf %add3A, %add3A_14 : vector<1024x1000xf32>
    %mul3A = arith.constant 2.000000e+00 : f32
    %mul3A_16 = vector.broadcast %mul3A : f32 to vector<1024x1000xf32>
    %mul3A_17 = arith.mulf %mul3A_16, %dot_general3A_7 : vector<1024x1000xf32>
    %sub3A = arith.subf %add3A_15, %mul3A_17 : vector<1024x1000xf32>
    %max3A = arith.constant 9.99999996E-13 : f32
    %max3A_18 = vector.broadcast %max3A : f32 to vector<1024x1000xf32>
    %max3A_19 = arith.maximumf %sub3A, %max3A_18 : vector<1024x1000xf32>
    %swap3A = arith.constant 0 : index
    %swap3A_20 = arith.constant 0 : index
    %swap3A_21 = vector.load %arg8[%swap3A, %swap3A_20] : memref<1024x1000xf32, #tpu.memory_space<vmem>>, vector<1024x1000xf32>
    tpu.vector_store %arg8[%swap3A, %swap3A_20], %max3A_19 {strides = array<i32>} : memref<1024x1000xf32, #tpu.memory_space<vmem>>, vector<1024x1000xf32>,
    %while3A = arith.constant 1 : i32
    %while3A_22 = scf.while (%while3A_28 = %while3A) : (i32) -> i32 {
      %ne3A = arith.constant 0 : i32
      %ne3A_29 = arith.cmpi ne, %while3A_28, %ne3A : i32
      scf.condition(%ne3A_29) %while3A_28 : i32
    } do {
    ^bb0(%while3A_28: i32):
      %get3A_29 = arith.constant 0 : index
      %get3A_30 = arith.constant 0 : index
      %get3A_31 = vector.load %arg8[%get3A_29, %get3A_30] : memref<1024x1000xf32, #tpu.memory_space<vmem>>, vector<1024x1000xf32>
      %reduce_min3A = arith.constant dense<0x7F800000> : vector<1024xf32>
      %reduce_min3A_32 = vector.multi_reduction <minimumf>, %get3A_31, %reduce_min3A [1] : vector<1024x1000xf32> to vector<1024xf32>
      %broadcast_in_dim3A = vector.shape_cast %reduce_min3A_32 : vector<1024xf32> to vector<1024x1xf32>
      %get3A_33 = arith.constant 0 : index
      %get3A_34 = arith.constant 15 : index
      %get3A_35 = vector.load %arg9[%get3A_33, %get3A_34] : memref<1024x16xf32, #tpu.memory_space<vmem>>, vector<1024x1xf32>
      %lt3A = arith.cmpf olt, %broadcast_in_dim3A, %get3A_35 : vector<1024x1xf32>
      %iota3A = tpu.iota {dimensions = array<i32: 1>} : vector<1024x1000xi32>
      %mul3A_36 = arith.constant 1000 : i32
      %mul3A_37 = arith.muli %arg0, %mul3A_36 : i32
      %add3A_38 = vector.broadcast %mul3A_37 : i32 to vector<1024x1000xi32>
      %add3A_39 = arith.addi %iota3A, %add3A_38 : vector<1024x1000xi32>
      %eq3A_40 = vector.broadcast %broadcast_in_dim3A : vector<1024x1xf32> to vector<1024x1000xf32>
      %eq3A_41 = arith.cmpf oeq, %get3A_31, %eq3A_40 : vector<1024x1000xf32>
      %jit3A = arith.constant 1073741824 : i32
      %broadcast_in_dim3A_42 = vector.broadcast %jit3A : i32 to vector<1024x1000xi32>
      %select_n3A = arith.select %eq3A_41, %add3A_39, %broadcast_in_dim3A_42 : vector<1024x1000xi1>, vector<1024x1000xi32>
      %reduce_min3A_43 = arith.constant dense<2147483647> : vector<1024xi32>
      %reduce_min3A_44 = vector.multi_reduction <minsi>, %select_n3A, %reduce_min3A_43 [1] : vector<1024x1000xi32> to vector<1024xi32>
      %broadcast_in_dim3A_45 = vector.shape_cast %reduce_min3A_44 : vector<1024xi32> to vector<1024x1xi32>
      %eq3A_46 = vector.broadcast %broadcast_in_dim3A_45 : vector<1024x1xi32> to vector<1024x1000xi32>
      %eq3A_47 = arith.cmpi eq, %add3A_39, %eq3A_46 : vector<1024x1000xi32>
      %and3A = arith.andi %eq3A_41, %eq3A_47 : vector<1024x1000xi1>
      %and3A_48 = vector.broadcast %lt3A : vector<1024x1xi1> to vector<1024x1000xi1>
      %and3A_49 = arith.andi %and3A, %and3A_48 : vector<1024x1000xi1>
      %jit3A_50 = arith.constant 0x7F800000 : f32
      %broadcast_in_dim3A_51 = vector.broadcast %jit3A_50 : f32 to vector<1024x1000xf32>
      %select_n3A_52 = arith.select %and3A_49, %broadcast_in_dim3A_51, %get3A_31 : vector<1024x1000xi1>, vector<1024x1000xf32>
      %swap3A_53 = arith.constant 0 : index
      %swap3A_54 = arith.constant 0 : index
      %swap3A_55 = vector.load %arg8[%swap3A_53, %swap3A_54] : memref<1024x1000xf32, #tpu.memory_space<vmem>>, vector<1024x1000xf32>
      tpu.vector_store %arg8[%swap3A_53, %swap3A_54], %select_n3A_52 {strides = array<i32>} : memref<1024x1000xf32, #tpu.memory_space<vmem>>, vector<1024x1000xf32>,
      %get3A_56 = arith.constant 0 : index
      %get3A_57 = arith.constant 0 : index
      %get3A_58 = vector.load %arg9[%get3A_56, %get3A_57] : memref<1024x16xf32, #tpu.memory_space<vmem>>, vector<1024x16xf32>
      %get3A_59 = arith.constant 0 : index
      %get3A_60 = arith.constant 0 : index
      %get3A_61 = vector.load %arg10[%get3A_59, %get3A_60] : memref<1024x16xi32, #tpu.memory_space<vmem>>, vector<1024x16xi32>
      %le3A = vector.broadcast %broadcast_in_dim3A : vector<1024x1xf32> to vector<1024x16xf32>
      %le3A_62 = arith.cmpf ole, %get3A_58, %le3A : vector<1024x16xf32>
      %broadcast_in_dim3A_63 = arith.constant 0xFF800000 : f32
      %broadcast_in_dim3A_64 = vector.broadcast %broadcast_in_dim3A_63 : f32 to vector<1024x1xf32>
      %slice3A = vector.extract_strided_slice %get3A_58 {offsets = [0, 0], sizes = [1024, 15], strides = [1, 1]} : vector<1024x16xf32> to vector<1024x15xf32>
      %concatenate3A = tpu.concatenate %broadcast_in_dim3A_64, %slice3A in 1 : vector<1024x1xf32>, vector<1024x15xf32> -> vector<1024x16xf32>
      %broadcast_in_dim3A_65 = arith.constant 0 : i32
      %broadcast_in_dim3A_66 = vector.broadcast %broadcast_in_dim3A_65 : i32 to vector<1024x1xi32>
      %slice3A_67 = vector.extract_strided_slice %get3A_61 {offsets = [0, 0], sizes = [1024, 15], strides = [1, 1]} : vector<1024x16xi32> to vector<1024x15xi32>
      %concatenate3A_68 = tpu.concatenate %broadcast_in_dim3A_66, %slice3A_67 in 1 : vector<1024x1xi32>, vector<1024x15xi32> -> vector<1024x16xi32>
      %le3A_69 = vector.broadcast %broadcast_in_dim3A : vector<1024x1xf32> to vector<1024x16xf32>
      %le3A_70 = arith.cmpf ole, %concatenate3A, %le3A_69 : vector<1024x16xf32>
      %broadcast_in_dim3A_71 = vector.shape_cast %broadcast_in_dim3A : vector<1024x1xf32> to vector<1024x1xf32>
      %broadcast_in_dim3A_72 = vector.broadcast %broadcast_in_dim3A_71 : vector<1024x1xf32> to vector<1024x16xf32>
      %select_n3A_73 = arith.select %le3A_70, %broadcast_in_dim3A_72, %concatenate3A : vector<1024x16xi1>, vector<1024x16xf32>
      %select_n3A_74 = arith.select %le3A_62, %get3A_58, %select_n3A_73 : vector<1024x16xi1>, vector<1024x16xf32>
      %broadcast_in_dim3A_75 = vector.shape_cast %broadcast_in_dim3A_45 : vector<1024x1xi32> to vector<1024x1xi32>
      %broadcast_in_dim3A_76 = vector.broadcast %broadcast_in_dim3A_75 : vector<1024x1xi32> to vector<1024x16xi32>
      %select_n3A_77 = arith.select %le3A_70, %broadcast_in_dim3A_76, %concatenate3A_68 : vector<1024x16xi1>, vector<1024x16xi32>
      %select_n3A_78 = arith.select %le3A_62, %get3A_61, %select_n3A_77 : vector<1024x16xi1>, vector<1024x16xi32>
      %broadcast_in_dim3A_79 = vector.shape_cast %lt3A : vector<1024x1xi1> to vector<1024x1xi1>
      %broadcast_in_dim3A_80 = vector.broadcast %broadcast_in_dim3A_79 : vector<1024x1xi1> to vector<1024x16xi1>
      %select_n3A_81 = arith.select %broadcast_in_dim3A_80, %select_n3A_74, %get3A_58 : vector<1024x16xi1>, vector<1024x16xf32>
      %swap3A_82 = arith.constant 0 : index
      %swap3A_83 = arith.constant 0 : index
      %swap3A_84 = vector.load %arg9[%swap3A_82, %swap3A_83] : memref<1024x16xf32, #tpu.memory_space<vmem>>, vector<1024x16xf32>
      tpu.vector_store %arg9[%swap3A_82, %swap3A_83], %select_n3A_81 {strides = array<i32>} : memref<1024x16xf32, #tpu.memory_space<vmem>>, vector<1024x16xf32>,
      %broadcast_in_dim3A_85 = vector.shape_cast %lt3A : vector<1024x1xi1> to vector<1024x1xi1>
      %broadcast_in_dim3A_86 = vector.broadcast %broadcast_in_dim3A_85 : vector<1024x1xi1> to vector<1024x16xi1>
      %select_n3A_87 = arith.select %broadcast_in_dim3A_86, %select_n3A_78, %get3A_61 : vector<1024x16xi1>, vector<1024x16xi32>
      %swap3A_88 = arith.constant 0 : index
      %swap3A_89 = arith.constant 0 : index
      %swap3A_90 = vector.load %arg10[%swap3A_88, %swap3A_89] : memref<1024x16xi32, #tpu.memory_space<vmem>>, vector<1024x16xi32>
      tpu.vector_store %arg10[%swap3A_88, %swap3A_89], %select_n3A_87 {strides = array<i32>} : memref<1024x16xi32, #tpu.memory_space<vmem>>, vector<1024x16xi32>,
      %reduce_or3A = arith.constant 1.000000e+00 : f32
      %reduce_or3A_91 = arith.constant 0.000000e+00 : f32
      %reduce_or3A_92 = vector.broadcast %reduce_or3A : f32 to vector<1024x1xf32>
      %reduce_or3A_93 = vector.broadcast %reduce_or3A_91 : f32 to vector<1024x1xf32>
      %reduce_or3A_94 = arith.select %lt3A, %reduce_or3A_92, %reduce_or3A_93 : vector<1024x1xi1>, vector<1024x1xf32>
      %reduce_or3A_95 = vector.shape_cast %reduce_or3A_94 : vector<1024x1xf32> to vector<1x1024x1xf32>
      %reduce_or3A_96 = arith.constant dense<0xFF800000> : vector<1xf32>
      %reduce_or3A_97 = vector.multi_reduction <maximumf>, %reduce_or3A_95, %reduce_or3A_96 [1, 2] : vector<1x1024x1xf32> to vector<1xf32>
      %reduce_or3A_98 = vector.shape_cast %reduce_or3A_97 : vector<1xf32> to vector<1x1x1xf32>
      %reduce_or3A_99 = vector.extract %reduce_or3A_98[0, 0, 0] : f32 from vector<1x1x1xf32>
      %reduce_or3A_100 = arith.constant 0.000000e+00 : f32
      %reduce_or3A_101 = arith.cmpf ogt, %reduce_or3A_99, %reduce_or3A_100 : f32
      %convert_element_type3A_102 = arith.extui %reduce_or3A_101 : i1 to i32
      scf.yield %convert_element_type3A_102 : i32
    }
    %eq3A_23 = arith.constant 99 : i32
    %eq3A_24 = arith.cmpi eq, %arg0, %eq3A_23 : i32
    %convert_element_type3A_25 = arith.extui %eq3A_24 : i1 to i32
    %cond3A_26 = arith.constant 0 : i32
    %cond3A_27 = arith.cmpi ne, %convert_element_type3A_25, %cond3A_26 : i32
    scf.if %cond3A_27 {
      %get3A_28 = arith.constant 0 : index
      %get3A_29 = arith.constant 0 : index
      %get3A_30 = vector.load %arg9[%get3A_28, %get3A_29] : memref<1024x16xf32, #tpu.memory_space<vmem>>, vector<1024x16xf32>
      %sqrt3A = math.sqrt %get3A_30 : vector<1024x16xf32>
      %swap3A_31 = arith.constant 0 : index
      %swap3A_32 = arith.constant 0 : index
      %swap3A_33 = vector.load %arg5[%swap3A_31, %swap3A_32] : memref<1024x16xf32, #tpu.memory_space<vmem>>, vector<1024x16xf32>
      tpu.vector_store %arg5[%swap3A_31, %swap3A_32], %sqrt3A {strides = array<i32>} : memref<1024x16xf32, #tpu.memory_space<vmem>>, vector<1024x16xf32>,
      %get3A_34 = arith.constant 0 : index
      %get3A_35 = arith.constant 0 : index
      %get3A_36 = vector.load %arg10[%get3A_34, %get3A_35] : memref<1024x16xi32, #tpu.memory_space<vmem>>, vector<1024x16xi32>
      %swap3A_37 = arith.constant 0 : index
      %swap3A_38 = arith.constant 0 : index
      %swap3A_39 = vector.load %arg6[%swap3A_37, %swap3A_38] : memref<1024x16xi32, #tpu.memory_space<vmem>>, vector<1024x16xi32>
      tpu.vector_store %arg6[%swap3A_37, %swap3A_38], %get3A_36 {strides = array<i32>} : memref<1024x16xi32, #tpu.memory_space<vmem>>, vector<1024x16xi32>,
      %sub3A_40 = arith.constant 1.000000e+00 : f32
      %sub3A_41 = vector.broadcast %sub3A_40 : f32 to vector<1024x16xf32>
      %sub3A_42 = arith.subf %sub3A_41, %sqrt3A : vector<1024x16xf32>
      %broadcast_in_dim3A = vector.shape_cast %sub3A_42 : vector<1024x16xf32> to vector<1024x16x1xf32>
      %broadcast_in_dim3A_43 = vector.shape_cast %broadcast_in_dim3A : vector<1024x16x1xf32> to vector<1024x16x1xf32>
      %broadcast_in_dim3A_44 = vector.broadcast %broadcast_in_dim3A_43 : vector<1024x16x1xf32> to vector<1024x16x16xf32>
      %swap3A_45 = arith.constant 0 : index
      %swap3A_46 = arith.constant 0 : index
      %swap3A_47 = arith.constant 0 : index
      %swap3A_48 = vector.load %arg7[%swap3A_45, %swap3A_46, %swap3A_47] : memref<1024x16x16xf32, #tpu.memory_space<vmem>>, vector<1024x16x16xf32>
      tpu.vector_store %arg7[%swap3A_45, %swap3A_46, %swap3A_47], %broadcast_in_dim3A_44 {strides = array<i32>} : memref<1024x16x16xf32, #tpu.memory_space<vmem>>, vector<1024x16x16xf32>,
    } else {
    }
    return
  }
  func.func @transform_0(%arg0: i32) -> (i32, i32) {
    %c0_i32 = arith.constant 0 : i32
    %c0_i32_0 = arith.constant 0 : i32
    %c0_i32_1 = arith.constant 0 : i32
    return %c0_i32, %c0_i32_0 : i32, i32
  }
  func.func @transform_1(%arg0: i32) -> (i32, i32) {
    %c0_i32 = arith.constant 0 : i32
    %c0_i32_0 = arith.constant 0 : i32
    return %arg0, %c0_i32 : i32, i32
  }
  func.func @transform_2(%arg0: i32) -> (i32, i32) {
    %c0_i32 = arith.constant 0 : i32
    %c0_i32_0 = arith.constant 0 : i32
    %c0_i32_1 = arith.constant 0 : i32
    return %c0_i32, %c0_i32_0 : i32, i32
  }
  func.func @transform_3(%arg0: i32) -> (i32, i32) {
    %c0_i32 = arith.constant 0 : i32
    %c0_i32_0 = arith.constant 0 : i32
    %c0_i32_1 = arith.constant 0 : i32
    return %c0_i32, %c0_i32_0 : i32, i32
  }
  func.func @transform_4(%arg0: i32) -> (i32, i32) {
    %c0_i32 = arith.constant 0 : i32
    %c0_i32_0 = arith.constant 0 : i32
    %c0_i32_1 = arith.constant 0 : i32
    return %c0_i32, %c0_i32_0 : i32, i32
  }
  func.func @transform_5(%arg0: i32) -> (i32, i32) {
    %c0_i32 = arith.constant 0 : i32
    %c0_i32_0 = arith.constant 0 : i32
    %c0_i32_1 = arith.constant 0 : i32
    return %c0_i32, %c0_i32_0 : i32, i32
  }
  func.func @transform_6(%arg0: i32) -> (i32, i32, i32) {
    %c0_i32 = arith.constant 0 : i32
    %c0_i32_0 = arith.constant 0 : i32
    %c0_i32_1 = arith.constant 0 : i32
    %c0_i32_2 = arith.constant 0 : i32
    return %c0_i32, %c0_i32_0, %c0_i32_1 : i32, i32, i32
  }
}

module attributes {stable_mosaic.version = 14 : i64} {
  func.func @_norm_body(%arg0: memref<1024x64xf32, #tpu.memory_space<vmem>>, %arg1: memref<1024x64xf32, #tpu.memory_space<vmem>>) attributes {dimension_semantics = [], scalar_prefetch = 0 : i64, scratch_operands = 0 : i64, tpu.core_type = #tpu.core_type<tc>} {
    %get3A = arith.constant 0 : index
    %get3A_0 = arith.constant 0 : index
    %get3A_1 = vector.load %arg0[%get3A, %get3A_0] : memref<1024x64xf32, #tpu.memory_space<vmem>>, vector<1024x64xf32>
    %reduce_sum3A = arith.constant dense<0.000000e+00> : vector<1024xf32>
    %reduce_sum3A_2 = vector.multi_reduction <add>, %get3A_1, %reduce_sum3A [1] : vector<1024x64xf32> to vector<1024xf32>
    %broadcast_in_dim3A = vector.shape_cast %reduce_sum3A_2 : vector<1024xf32> to vector<1024x1xf32>
    %div3A = vector.broadcast %broadcast_in_dim3A : vector<1024x1xf32> to vector<1024x64xf32>
    %div3A_3 = arith.divf %get3A_1, %div3A : vector<1024x64xf32>
    %swap3A = arith.constant 0 : index
    %swap3A_4 = arith.constant 0 : index
    %swap3A_5 = vector.load %arg1[%swap3A, %swap3A_4] : memref<1024x64xf32, #tpu.memory_space<vmem>>, vector<1024x64xf32>
    tpu.vector_store %arg1[%swap3A, %swap3A_4], %div3A_3 {strides = array<i32>} : memref<1024x64xf32, #tpu.memory_space<vmem>>, vector<1024x64xf32>,
    return
  }
}

</mosaic_0001>

<sc_bundles>
// kernel: kernel.5.cloned.1.call-start
scs
__scs_entry_jumppad:
0x0: {  	(pc) =	sbr.rel $0x88, $3  }
0x1: {  	(tag) =	ssettag $0x0;
	lr =	simm.s32 $0x1  }
0x2: {  	[smem:$0x3F9E] =	sst lr;
	_ =	strace $0xD0000000  }
0x3: {  	_ = 	snop  }
0x4: {  	_ = 	snop  }
0x5: {  	_ = 	snop  }
0x6: {  	_ = 	snop  }
0x7: {  	_ = 	snop  }
__scs_overlays_trampoline_lowered:
0x8: {  	[smem:$0x3FAD] =	sst s0  }
0x9: {  	[smem:$0x3FAE] =	sst s1  }
0xa: {  	[smem:$0x3FAF] =	sst s2  }
0xb: {  	[smem:$0x3FB0] =	sst s3  }
0xc: {  	[smem:$0x3FB1] =	sst s4  }
0xd: {  	[smem:$0x3FB2] =	sst s5  }
0xe: {  	[smem:$0x3FB3] =	sst s6  }
0xf: {  	[smem:$0x3FB4] =	sst s7  }
0x10: {  	[smem:$0x3FB5] =	sst s8  }
0x11: {  	[smem:$0x3FB6] =	sst s9;
	s0 =	simm.s32 @!p0 $0x0  }
0x12: {  	s1 =	sld [smem:$0x3F9C];
	s0 =	simm.s32 @p0 $0x1  }
0x13: {  	[smem:$0x3FB7] =	sst s0;
	s0 =	simm.s32 @!p1 $0x0  }
0x14: {  	s2 =	sld [smem:$0x3F9B];
	s0 =	simm.s32 @p1 $0x1  }
0x15: {  	[smem:$0x3FB8] =	sst s0;
	s0 =	simm.s32 @!p2 $0x0  }
0x16: {  	s3 =	sld [smem:$0x3FDB];
	s0 =	simm.s32 @p2 $0x1  }
0x17: {  	s4 =	simm.s32 $0x1BF5;
	[smem:$0x3FBA] =	sst s0  }
0x18: {  	s0 =	sld [smem:$0x3F9D];
	_ =	swait.ge [sflag:s4], $0x0  }
0x19: {  	s7 =	sld [smem:$0x3F9E]  }
0x1a: {  	s8 =	sadd.s32 $0xFFFFE003, lr  }
0x1b: {  	s9 =	sadd.s32 $0xFFFFFEF7, lr;
	s5 =	simm.s32 $0xFFFFFFFF;
	p2 =	slt.u32 s8, $0xFFFFF086  }
0x1c: {  	p1 =	slt.u32 s9, $0xF7A;
	s5 =	simm.s32 @!p2 $0x0  }
0x1d: {  	s5 =	simm.s32 @p1 $0x1;
	p0 =	seq.s32 s7, s2  }
0x1e: {  	s7 =	smul.u32 @!p0 $0xF7A, s2;
	p2 =	seq.s32 @!p0 s5, $0x0  }
0x1f: {  	s9 =	smul.u32 $0xF7A, s1;
	s8 =	simm.s32 @!p0 $0x1BF5;
	p2 =	por !p2, p0  }
0x20: {  	[sflag:s8] =	ssyncset.s32 @!p0 $0xFFFFF086;
	s6 =	sadd.s32 @!p0 s3, s7;
	s7 =	simm.s32 @!p0 $0x108  }
0x21: {  	s3 =	sadd.s32 s3, s9;
	s6 =	sadd.s32 @!p0 $0x88, s6;
	s7 =	simm.s32 @p2 $0x1082  }
0x22: {  	[simem:s7], [sflag:s8] =	dma.local @!p0 [hbm:s6], $0xF7A  }
0x23: {  	s9 =	sor.u32 $0xD0000000, s2;
	s6 =	simm.s32 $0x108;
	_ =	swait.ge @!p0 [sflag:s8], $0x0  }
0x24: {  	s3 =	sadd.s32 $0x88, s3;
	s6 =	simm.s32 @!p1 $0x1082;
	[sflag:s4] =	ssyncset.s32 $0xFFFFF086  }
0x25: {  	[simem:s6], [sflag:s4] =	dma.local [hbm:s3], $0xF7A  }
0x26: {  	[smem:$0x3F9E] =	sst s1;
	(tag) =	ssettag s2;
	_ =	strace s9  }
0x27: {  	s1 =	sld [smem:$0x3FAE]  }
0x28: {  	s2 =	sld [smem:$0x3FAF]  }
0x29: {  	s4 =	sld [smem:$0x3FB1]  }
0x2a: {  	p0 =	seq.s32 s5, $0x0;
	s5 =	sld [smem:$0x3FB2]  }
0x2b: {  	s6 =	sld [smem:$0x3FB3]  }
0x2c: {  	s7 =	sld [smem:$0x3FB4]  }
0x2d: {  	s3 =	simm.s32 $0x108;
	s8 =	sld [smem:$0x3FB5]  }
0x2e: {  	s3 =	simm.s32 @!p0 $0x1082;
	s9 =	sld [smem:$0x3FB6]  }
0x2f: {  	lr =	sadd.s32 s0, s3;
	s0 =	sld [smem:$0x3FAD]  }
0x30: {  	s3 =	sld [smem:$0x3FB0]  }
0x31: {  	[smem:$0x3FB9] =	sst s10  }
0x32: {  	s10 =	sld [smem:$0x3FB7];
	_ =	sdelay $0x3  }
0x33: {  	p0 =	seq.s32 s10, $0x1;
	s10 =	sld [smem:$0x3FB9];
	_ =	sdelay $0x3  }
0x34: {  	[smem:$0x3FB9] =	sst s10  }
0x35: {  	s10 =	sld [smem:$0x3FB8];
	_ =	sdelay $0x3  }
0x36: {  	p1 =	seq.s32 s10, $0x1;
	s10 =	sld [smem:$0x3FB9];
	_ =	sdelay $0x3  }
0x37: {  	[smem:$0x3FB9] =	sst s10  }
0x38: {  	s10 =	sld [smem:$0x3FBA]  }
0x39: {  	_ = 	snop;
	(pc) =	sbr.ind lr, $3  }
0x3a: {  	_ = 	snop  }
0x3b: {  	_ = 	snop  }
0x3c: {  	p2 =	seq.s32 s10, $0x1;
	s10 =	sld [smem:$0x3FB9]  }
0x3d: {  	_ =	shalt  }
0x3e: {  	_ =	shalt  }
0x3f: {  	_ =	shalt  }
0x40: {  	_ =	shalt  }
0x41: {  	_ =	shalt  }
0x42: {  	_ =	shalt  }
0x43: {  	_ =	shalt  }
0x44: {  	_ =	shalt  }
0x45: {  	_ =	shalt  }
0x46: {  	_ =	shalt  }
0x47: {  	_ =	shalt  }
0x48: {  	_ =	shalt  }
0x49: {  	_ =	shalt  }
0x4a: {  	_ =	shalt  }
0x4b: {  	_ =	shalt  }
0x4c: {  	_ =	shalt  }
0x4d: {  	_ =	shalt  }
0x4e: {  	_ =	shalt  }
0x4f: {  	_ =	shalt  }
0x50: {  	_ =	shalt  }
0x51: {  	_ =	shalt  }
0x52: {  	_ =	shalt  }
0x53: {  	_ =	shalt  }
0x54: {  	_ =	shalt  }
0x55: {  	_ =	shalt  }
0x56: {  	_ =	shalt  }
0x57: {  	_ =	shalt  }
0x58: {  	_ =	shalt  }
0x59: {  	_ =	shalt  }
0x5a: {  	_ =	shalt  }
0x5b: {  	_ =	shalt  }
0x5c: {  	_ =	shalt  }
0x5d: {  	_ =	shalt  }
0x5e: {  	_ =	shalt  }
0x5f: {  	_ =	shalt  }
0x60: {  	_ =	shalt  }
0x61: {  	_ =	shalt  }
0x62: {  	_ =	shalt  }
0x63: {  	_ =	shalt  }
0x64: {  	_ =	shalt  }
0x65: {  	_ =	shalt  }
0x66: {  	_ =	shalt  }
0x67: {  	_ =	shalt  }
0x68: {  	_ =	shalt  }
0x69: {  	_ =	shalt  }
0x6a: {  	_ =	shalt  }
0x6b: {  	_ =	shalt  }
0x6c: {  	_ =	shalt  }
0x6d: {  	_ =	shalt  }
0x6e: {  	_ =	shalt  }
0x6f: {  	_ =	shalt  }
0x70: {  	_ =	shalt  }
0x71: {  	_ =	shalt  }
0x72: {  	_ =	shalt  }
0x73: {  	_ =	shalt  }
0x74: {  	_ =	shalt  }
0x75: {  	_ =	shalt  }
0x76: {  	_ =	shalt  }
0x77: {  	_ =	shalt  }
0x78: {  	_ =	shalt  }
0x79: {  	_ =	shalt  }
0x7a: {  	_ =	shalt  }
0x7b: {  	_ =	shalt  }
0x7c: {  	_ =	shalt  }
0x7d: {  	_ =	shalt  }
0x7e: {  	_ =	shalt  }
0x7f: {  	_ =	shalt  }
0x80: {  	_ =	shalt  }
0x81: {  	_ =	shalt  }
0x82: {  	_ =	shalt  }
0x83: {  	_ =	shalt  }
0x84: {  	_ =	shalt  }
0x85: {  	_ =	shalt  }
0x86: {  	_ =	shalt  }
0x87: {  	_ =	shalt  }
.Lfunc_end0:
.L_simem_size_0:
called_computation_lowered:
.L_overlay_start_0:
0x88: {  	s2 =	sld [smem:$0x3FD9]  }
0x89: {  	s3 =	sld [smem:$0x3FFE];
	_ =	sdelay $0x1  }
0x8a: {  	s1 =	srdreg.scid  }
0x8b: {  	s0 =	sand.u32 $0x1, s1  }
0x8c: {  	s14 =	sshll.u32 s0, $0xA;
	s2 =	sadd.s32 s3, s2  }
0x8d: {  	s2 =	sadd.s32 s2, s14  }
0x8e: {  	[smem:$0x3FC5] =	sst s2  }
0x8f: {  	_ = 	snop  }
0x90: {  	s2 =	sld [smem:$0x3FD0];
	_ =	sdelay $0x2  }
0x91: {  	s15 =	simm.s32 $0xA;
	s4 =	simm.s32 $0x10  }
0x92: {  	[smem:s4], [sflag:s15] =	dma.local [hbm:s2], $0x1  }
0x93: {  	_ =	swait.eq [sflag:s15], $0x1  }
0x94: {  	[sflag:s15] =	ssyncset.done $0x0  }
0x95: {  	[sflag:s15] =	ssyncadd.s32 $0xFFFFFFFF  }
0x96: {  	s16 =	sld [smem:$0x10];
	(tm) =	ssettm $0x1  }
0x97: {  	s17 =	sld [smem:$0x3FFB];
	_ =	sdelay $0x3  }
0x98: {  	_ =	strace s17  }
0x99: {  	s3 =	sld [smem:$0x3FFC];
	_ =	sdelay $0x3  }
0x9a: {  	_ =	strace s3  }
0x9b: {  	s3 =	sld [smem:$0x3FFD];
	_ =	sdelay $0x3  }
0x9c: {  	_ =	strace s3  }
0x9d: {  	_ =	strace $0x8FFFFFFF  }
0x9e: {  	s18 =	sld [smem:$0x3FDB];
	_ =	sdelay $0x1  }
0x9f: {  	s19 =	simm.s32 $_scs_section_size  }
0xa0: {  	s5 =	simm.s32 $_size__tile_overlayer_lowered;
	s6 =	simm.s32 $_tile_overlayer_lowered  }
0xa1: {  	s22 =	simm.s32 $0x1BFF;
	s21 =	sshll.u32 s6, $0x1;
	s3 =	sadd.s32 s19, s18  }
0xa2: {  	s7 =	simm.s32 $0x0;
	s20 =	sshll.u32 s5, $0x1;
	s5 =	sadd.s32 s21, s3  }
0xa3: {  	[timem:s7], [sflag:s22] =	dma.local [hbm:s5], s20  }
0xa4: {  	_ =	swait.ge [sflag:s22], s20  }
0xa5: {  	s4 =	ssub.s32 $0x0, s20;
	[sflag:s22] =	ssyncset.done $0x0  }
0xa6: {  	[sflag:s22] =	ssyncadd.s32 s4;
	_ =	sdelay $0x1  }
0xa7: {  	s23 =	simm.s32 $0x1B8B  }
0xa8: {  	_ =	swait.ge [sflag:s23], $0x1  }
0xa9: {  	[sflag:s23] =	ssyncset.done $0x0  }
0xaa: {  	s25 =	simm.s32 $0x1B8E;
	s24 =	sld [smem:$0x3FFE];
	[sflag:s23] =	ssyncadd.s32 $0xFFFFFFFF  }
0xab: {  	s26 =	simm.s32 $execute0_lowered;
	[smem:$0x3FD2] =	sst s25  }
0xac: {  	s5 =	sshll.u32 s26, $0x1;
	_ =	strace $0x80000046;
	[dreg:$0x1] =	wrdreg $0xFFFFFFFF  }
0xad: {  	s28 =	simm.s32 $_size_execute0_lowered;
	s3 =	sadd.s32 s3, s5;
	[dreg:$0x0] =	wrdreg $0x0  }
0xae: {  	s5 =	sshll.u32 s28, $0x1;
	[dreg:$0x2] =	wrdreg s3  }
0xaf: {  	[dreg:$0x3] =	wrdreg s5  }
0xb0: {  	[dreg:$0x4] =	wrdreg $0xC0  }
0xb1: {  	_ =	task [dreg:s7], $0x5FFFF  }
0xb2: {  	[dreg:$0x1] =	wrdreg $0xFFFFFFFF  }
0xb3: {  	[dreg:$0x0] =	wrdreg $0x60  }
0xb4: {  	[dreg:$0x2] =	wrdreg s24  }
0xb5: {  	[dreg:$0x3] =	wrdreg s16  }
0xb6: {  	[dreg:$0x4] =	wrdreg $0x9  }
0xb7: {  	_ =	task.clear_ibuf [dreg:s7], $0x5FFFF;
	_ =	strace $0x90000046  }
0xb8: {  	s29 =	simm.s32 $0x9;
	_ =	strace $0x80000048  }
0xb9: {  	_ =	swait.ge [sflag:s29], $0x1  }
0xba: {  	[sflag:s29] =	ssyncadd.s32 $0xFFFFFFFF  }
0xbb: {  	_ =	strace $0x90000048  }
0xbc: {  	_ =	sfence  }
0xbd: {  	s30 =	sld [smem:$0x0];
	_ =	sdelay $0x2  }
0xbe: {  	s31 =	sshll.u32 s1, $0xD;
	s1 =	sshrl.u32 s1, $0x2  }
0xbf: {  	s3 =	sand.u32 $0x4000, s31;
	s1 =	sadd.s32 s1, s30  }
0xc0: {  	s0 =	sor.u32 s3, s0;
	s1 =	sshll.u32 s1, $0x11  }
0xc1: {  	s0 =	sor.u32 s1, s0  }
0xc2: {  	s0 =	sadd.s32 $0x8F2B, s0  }
0xc3: {  	[sflag:s0] =	ssyncadd.remote.s32 $0x1  }
0xc4: {  	_ =	sfence.sel $0xFFFF  }
0xc5: {  	[dreg:$0x0] =	wrdreg $0xFFFFFFFF;
	(pc) =	sbr.abs _section_cstart, $3  }
0xc6: {  	[dreg:$0x1] =	wrdreg $0xFFFFFFFF  }
0xc7: {  	_ =	task.clear_ibuf [dreg:s7], $0x2FFFF;
	_ =	strace $0x9FFFFFFF  }
0xc8: {  	(tm) =	ssettm $0x7FFFFFFF  }
0xc9: {  	_ =	shalt  }
tec
execute0_lowered:
.L_overlay_start_1:
0x0: {  	(tag) =	ssettag $0x1  }
0x1: {  	s3 =	rddreg [dreg:$0x0]  }
0x2: {  	s6 =	rddreg [dreg:$0x1]  }
0x3: {  	s0 =	rddreg [dreg:$0x2]  }
0x4: {  	s4 =	srdreg.scid;
	s1 =	stileid.u32;
	s2 =	simm.s32 $0x0  }
0x5: {  	s10 =	simm.s32 $0x2200;
	s11 =	simm.s32 $0x1;
	s12 =	simm.s32 $0xA200  }
0x6: {  	s4 =	sand.u32 $0x1, s4;
	s5 =	sshll.u32 s1, $0x1;
	[smem:$0x7FF] =	sst s2  }
0x7: {  	s13 =	simm.s32 $0x0;
	s5 =	sor.u32 s4, s5;
	_ =	strace $0x80000047  }
0x8: {  	s4 =	ssub.s32 $0x2, s4;
	s7 =	sshll.u32 s5, $0x6;
	s8 =	sshll.u32 s5, $0xA  }
0x9: {  	s9 =	sshrl.u32 s4, $0x1;
	s31 =	sshll.u32 s5, $0x8;
	s7 =	sadd.s32 s7, s3  }
0xa: {  	s8 =	sadd.s32 s8, s3;
	s3 =	sadd.s32 $0x190400, s3;
	s9 =	ssub.s32 s4, s9  }
0xb: {  	s6 =	sadd.s32 s6, s31;
	s4 =	sadd.s32 $0x1200, s7;
	s5 =	sadd.s32 $0x1A00, s8  }
0xc: {  	s7 =	smax.u32 s9, $0x1;
	s8 =	simm.s32 $0x2;
	s9 =	simm.s32 $0x200  }
.LBB2_1:
0xd: {  	[tilespmem:s2], [sflag:$0x2] =	stream.linear.gather [hbm4b:s4+s2], $0x200, $0x38;
	[tilespmem:$0xAA00] =	vst v63  }
0xe: {  	_ =	swait.ge [sflag:s8], $0x200  }
0xf: {  	[sflag:s8] =	ssyncset.done $0x0  }
0x10: {  	[sflag:s8] =	ssyncadd.s32 $0xFFFFFE00  }
0x11: {  	[tilespmem:s9], [sflag:$0x2] =	stream.linear.gather [hbm4b:s5+s2], $0x2000, $0x38;
	[tilespmem:$0xAA00] =	vst v63  }
0x12: {  	_ =	swait.ge [sflag:s8], $0x2000  }
0x13: {  	[sflag:s8] =	ssyncset.done $0x0  }
0x14: {  	[sflag:s8] =	ssyncadd.s32 $0xFFFFE000  }
0x15: {  	[tilespmem:s10], [sflag:$0x1] =	stream.indirect.gather [hbm4b:s3+s9], $0x40, s2, s9, $0xb8;
	[tilespmem:$0xAA00] =	vst v63  }
0x16: {  	_ =	swait.ge [sflag:s11], $0x8000  }
0x17: {  	s14 =	simm.s32 $0x2400;
	[sflag:s11] =	ssyncset.done $0x0  }
0x18: {  	s15 =	simm.s32 $0x280;
	s16 =	simm.s32 $0x0;
	[sflag:s11] =	ssyncadd.s32 $0xFFFF8000  }
.LBB2_2:
0x19: {  	v0 =	vld [tilespmem:s15+$0xFFFFFF80]  }
0x1a: {  	v1 =	vld [tilespmem:s14+$0xFFFFFE00]  }
0x1b: {  	v2 =	vld [tilespmem:s14+$0xFFFFFE10]  }
0x1c: {  	v3 =	vld [tilespmem:s14+$0xFFFFFE20]  }
0x1d: {  	v4 =	vld [tilespmem:s14+$0xFFFFFE30]  }
0x1e: {  	v5 =	vld [tilespmem:s15+$0xFFFFFF90]  }
0x1f: {  	v6 =	vld [tilespmem:s14+$0xFFFFFE40]  }
0x20: {  	v7 =	vld [tilespmem:s14+$0xFFFFFE50]  }
0x21: {  	v8 =	vld [tilespmem:s14+$0xFFFFFE60]  }
0x22: {  	v9 =	vld [tilespmem:s14+$0xFFFFFE70]  }
0x23: {  	v10 =	vld [tilespmem:s15+$0xFFFFFFA0]  }
0x24: {  	v11 =	vld [tilespmem:s14+$0xFFFFFE80]  }
0x25: {  	v12 =	vld [tilespmem:s14+$0xFFFFFE90]  }
0x26: {  	v13 =	vld [tilespmem:s14+$0xFFFFFEA0]  }
0x27: {  	v14 =	vld [tilespmem:s14+$0xFFFFFEB0]  }
0x28: {  	v15 =	vld [tilespmem:s15+$0xFFFFFFB0]  }
0x29: {  	v16 =	vld [tilespmem:s14+$0xFFFFFEC0]  }
0x2a: {  	v17 =	vld [tilespmem:s14+$0xFFFFFED0]  }
0x2b: {  	v18 =	vld [tilespmem:s14+$0xFFFFFEE0]  }
0x2c: {  	v19 =	vld [tilespmem:s14+$0xFFFFFEF0]  }
0x2d: {  	v20 =	vld [tilespmem:s15+$0xFFFFFFC0]  }
0x2e: {  	v21 =	vld [tilespmem:s14+$0xFFFFFF00]  }
0x2f: {  	v22 =	vld [tilespmem:s14+$0xFFFFFF10]  }
0x30: {  	v23 =	vld [tilespmem:s14+$0xFFFFFF20]  }
0x31: {  	v24 =	vld [tilespmem:s14+$0xFFFFFF30]  }
0x32: {  	v25 =	vld [tilespmem:s15+$0xFFFFFFD0]  }
0x33: {  	v26 =	vld [tilespmem:s14+$0xFFFFFF40]  }
0x34: {  	v27 =	vld [tilespmem:s14+$0xFFFFFF50]  }
0x35: {  	v28 =	vld [tilespmem:s14+$0xFFFFFF60]  }
0x36: {  	v29 =	vld [tilespmem:s14+$0xFFFFFF70]  }
0x37: {  	v30 =	vld [tilespmem:s15+$0xFFFFFFE0]  }
0x38: {  	v31 =	vld [tilespmem:s14+$0xFFFFFF80]  }
0x39: {  	v32 =	vld [tilespmem:s14+$0xFFFFFF90]  }
0x3a: {  	v33 =	vld [tilespmem:s14+$0xFFFFFFA0]  }
0x3b: {  	v34 =	vld [tilespmem:s14+$0xFFFFFFB0]  }
0x3c: {  	v35 =	vld [tilespmem:s15+$0xFFFFFFF0]  }
0x3d: {  	v36 =	vld [tilespmem:s14+$0xFFFFFFC0]  }
0x3e: {  	v37 =	vld [tilespmem:s14+$0xFFFFFFD0]  }
0x3f: {  	v38 =	vld [tilespmem:s14+$0xFFFFFFE0];
	v1 =	vmul.f32 v1, v0;
	v2 =	vmul.f32 v2, v0  }
0x40: {  	v39 =	vld [tilespmem:s14+$0xFFFFFFF0];
	v3 =	vmul.f32 v3, v0;
	v0 =	vmul.f32 v4, v0  }
0x41: {  	v40 =	vld [tilespmem:s15+$0x0];
	v6 =	vmul.f32 v6, v5;
	v7 =	vmul.f32 v7, v5  }
0x42: {  	v41 =	vld [tilespmem:s14+$0x0];
	v8 =	vmul.f32 v8, v5;
	v5 =	vmul.f32 v9, v5  }
0x43: {  	v42 =	vld [tilespmem:s14+$0x10];
	v61 =	vmul.f32 v11, v10;
	v62 =	vmul.f32 v12, v10  }
0x44: {  	v43 =	vld [tilespmem:s14+$0x20];
	v63 =	vmul.f32 v13, v10;
	v10 =	vmul.f32 v14, v10  }
0x45: {  	v60 =	vld [tilespmem:s14+$0x30];
	v16 =	vmul.f32 v16, v15;
	v17 =	vmul.f32 v17, v15  }
0x46: {  	v44 =	vld [tilespmem:s15+$0x10];
	v18 =	vmul.f32 v18, v15;
	v19 =	vmul.f32 v19, v15  }
0x47: {  	v46 =	vld [tilespmem:s14+$0xF0];
	v21 =	vmul.f32 v21, v20;
	v22 =	vmul.f32 v22, v20  }
0x48: {  	v48 =	vld [tilespmem:s15+$0x40];
	v23 =	vmul.f32 v23, v20;
	v24 =	vmul.f32 v24, v20  }
0x49: {  	v51 =	vld [tilespmem:s14+$0x100];
	v26 =	vmul.f32 v26, v25;
	v27 =	vmul.f32 v27, v25  }
0x4a: {  	v54 =	vld [tilespmem:s14+$0x110];
	v28 =	vmul.f32 v28, v25;
	v29 =	vmul.f32 v29, v25  }
0x4b: {  	v56 =	vld [tilespmem:s14+$0x120];
	v31 =	vmul.f32 v31, v30;
	v32 =	vmul.f32 v32, v30  }
0x4c: {  	v58 =	vld [tilespmem:s14+$0x130];
	v45 =	vmul.f32 v33, v30;
	v47 =	vmul.f32 v34, v30  }
0x4d: {  	v9 =	vld [tilespmem:s14+$0x40];
	v49 =	vmul.f32 v36, v35;
	v50 =	vmul.f32 v37, v35  }
0x4e: {  	v13 =	vld [tilespmem:s15+$0x20];
	v52 =	vmul.f32 v38, v35;
	v53 =	vmul.f32 v39, v35;
	v1 =	vadd.f32 $0.0e+00, v1  }
0x4f: {  	v15 =	vld [tilespmem:s14+$0xA0];
	v55 =	vmul.f32 v41, v40;
	v2 =	vadd.f32 $0.0e+00, v2;
	v3 =	vadd.f32 $0.0e+00, v3  }
0x50: {  	v14 =	vld [tilespmem:s15+$0x30];
	v57 =	vmul.f32 v42, v40;
	v0 =	vadd.f32 $0.0e+00, v0;
	v1 =	vadd.f32 v6, v1  }
0x51: {  	v11 =	vld [tilespmem:s14+$0x70];
	v59 =	vmul.f32 v43, v40;
	v2 =	vadd.f32 v7, v2;
	v3 =	vadd.f32 v8, v3  }
0x52: {  	v12 =	vld [tilespmem:s14+$0x90];
	v4 =	vmul.f32 v60, v40;
	v0 =	vadd.f32 v5, v0;
	v1 =	vadd.f32 v61, v1  }
0x53: {  	v43 =	vmul.f32 v51, v48;
	v7 =	vld [tilespmem:s14+$0x50];
	v2 =	vadd.f32 v62, v2;
	v3 =	vadd.f32 v63, v3  }
0x54: {  	v8 =	vld [tilespmem:s14+$0x60];
	v33 =	vmul.f32 v15, v13;
	v0 =	vadd.f32 v10, v0;
	v1 =	vadd.f32 v16, v1  }
0x55: {  	v41 =	vmul.f32 v46, v14;
	v10 =	vld [tilespmem:s14+$0x80];
	v2 =	vadd.f32 v17, v2;
	v3 =	vadd.f32 v18, v3  }
0x56: {  	v60 =	vld [tilespmem:s15+$0x50];
	v46 =	vmul.f32 v56, v48;
	v0 =	vadd.f32 v19, v0;
	v1 =	vadd.f32 v21, v1  }
0x57: {  	v35 =	vld [tilespmem:s15+$0x60];
	v61 =	vmul.f32 v9, v44;
	v2 =	vadd.f32 v22, v2;
	v3 =	vadd.f32 v23, v3  }
0x58: {  	v42 =	vld [tilespmem:s14+$0x1A0];
	v7 =	vmul.f32 v7, v44;
	v0 =	vadd.f32 v24, v0;
	v1 =	vadd.f32 v26, v1  }
0x59: {  	v17 =	vld [tilespmem:s14+$0xB0];
	v63 =	vmul.f32 v8, v44;
	v2 =	vadd.f32 v27, v2;
	v3 =	vadd.f32 v28, v3  }
0x5a: {  	v16 =	vld [tilespmem:s14+$0xC0];
	v30 =	vmul.f32 v10, v13;
	v0 =	vadd.f32 v29, v0;
	v1 =	vadd.f32 v31, v1  }
0x5b: {  	v19 =	vld [tilespmem:s14+$0xD0];
	v28 =	vmul.f32 v11, v44;
	v44 =	vmul.f32 v54, v48;
	v2 =	vadd.f32 v32, v2  }
0x5c: {  	v37 =	vld [tilespmem:s14+$0x180];
	v48 =	vmul.f32 v58, v48;
	v3 =	vadd.f32 v45, v3;
	v1 =	vadd.f32 v49, v1  }
0x5d: {  	v21 =	vld [tilespmem:s14+$0xE0];
	v58 =	vmul.f32 v42, v35;
	v0 =	vadd.f32 v47, v0;
	v2 =	vadd.f32 v50, v2  }
0x5e: {  	v62 =	vld [tilespmem:s14+$0x140];
	v34 =	vmul.f32 v17, v13;
	v3 =	vadd.f32 v52, v3;
	v1 =	vadd.f32 v55, v1  }
0x5f: {  	v27 =	vld [tilespmem:s14+$0x150];
	v36 =	vmul.f32 v16, v14;
	v0 =	vadd.f32 v53, v0;
	v2 =	vadd.f32 v57, v2  }
0x60: {  	v29 =	vld [tilespmem:s14+$0x160];
	v38 =	vmul.f32 v19, v14;
	v3 =	vadd.f32 v59, v3;
	v1 =	vadd.f32 v61, v1  }
0x61: {  	v39 =	vld [tilespmem:s14+$0x190];
	v31 =	vmul.f32 v12, v13;
	v0 =	vadd.f32 v4, v0;
	v2 =	vadd.f32 v7, v2  }
0x62: {  	v32 =	vld [tilespmem:s14+$0x170];
	v40 =	vmul.f32 v21, v14;
	v3 =	vadd.f32 v63, v3;
	v1 =	vadd.f32 v30, v1  }
0x63: {  	v45 =	vld [tilespmem:s14+$0x1B0];
	v50 =	vmul.f32 v62, v60;
	v0 =	vadd.f32 v28, v0;
	v2 =	vadd.f32 v31, v2  }
0x64: {  	v47 =	vld [tilespmem:s15+$0x70];
	v6 =	vmul.f32 v27, v60;
	v3 =	vadd.f32 v33, v3;
	v1 =	vadd.f32 v36, v1  }
0x65: {  	v49 =	vld [tilespmem:s14+$0x1C0];
	v52 =	vmul.f32 v29, v60;
	v0 =	vadd.f32 v34, v0;
	v2 =	vadd.f32 v38, v2  }
0x66: {  	v51 =	vld [tilespmem:s14+$0x1D0];
	v55 =	vmul.f32 v37, v35;
	v3 =	vadd.f32 v40, v3;
	v1 =	vadd.f32 v43, v1  }
0x67: {  	v54 =	vld [tilespmem:s14+$0x1E0];
	v57 =	vmul.f32 v39, v35;
	v0 =	vadd.f32 v41, v0;
	v2 =	vadd.f32 v44, v2  }
0x68: {  	v56 =	vld [tilespmem:s14+$0x1F0];
	v53 =	vmul.f32 v32, v60;
	v3 =	vadd.f32 v46, v3;
	v1 =	vadd.f32 v50, v1  }
0x69: {  	v60 =	vmul.f32 v45, v35;
	v0 =	vadd.f32 v48, v0;
	v2 =	vadd.f32 v6, v2  }
0x6a: {  	v59 =	vmul.f32 v49, v47;
	v3 =	vadd.f32 v52, v3;
	v1 =	vadd.f32 v55, v1  }
0x6b: {  	v61 =	vmul.f32 v51, v47;
	v0 =	vadd.f32 v53, v0;
	v2 =	vadd.f32 v57, v2  }
0x6c: {  	p0 =	sne.s32 s16, $0x1F00;
	v62 =	vmul.f32 v54, v47;
	v3 =	vadd.f32 v58, v3;
	v1 =	vadd.f32 v59, v1  }
.Ltmp0:
0x6d: {  	s17 =	sshra.s32 s16, $0x2;
	v63 =	vmul.f32 v56, v47;
	v0 =	vadd.f32 v60, v0;
	v2 =	vadd.f32 v61, v2;
	(pc) =	sbr.rel @p0 .LBB2_2-.Ltmp0, $4  }
0x6e: {  	v3 =	vadd.f32 v62, v3;
	[tilespmem:s17+$0xA200] =	vst v1  }
0x6f: {  	v0 =	vadd.f32 v63, v0;
	[tilespmem:s17+$0xA210] =	vst v2  }
0x70: {  	[tilespmem:s17+$0xA220] =	vst v3  }
0x71: {  	s16 =	sadd.s32 $0x100, s16;
	s15 =	sadd.s32 $0x100, s15;
	s14 =	sadd.s32 $0x400, s14;
	[tilespmem:s17+$0xA230] =	vst v0  }
0x72: {  	s13 =	sadd.s32 $0x1, s13  }
0x73: {  	p0 =	sne.s32 s13, s7  }
.Ltmp1:
0x74: {  	_ = 	snop;
	(pc) =	sbr.rel @p0 .LBB2_1-.Ltmp1, $4  }
0x75: {  	[hbm4b:s6+s2] =	stream.linear.scatter [tilespmem:s12], [sflag:$0x2], $0x800, $0x38;
	[tilespmem:$0xAA00] =	vst v63  }
0x76: {  	_ =	swait.ge [sflag:s8], $0x800  }
0x77: {  	[sflag:s8] =	ssyncset.done $0x0  }
0x78: {  	[sflag:s8] =	ssyncadd.s32 $0xFFFFF800  }
0x79: {  	_ =	sfence.sel $0x180000  }
0x7a: {  	[bflag:$0x0] =	sbarrier.arrive $0xFFFF  }
0x7b: {  	p0 =	sne.s32 s1, $0x0;
	_ =	strace $0x90000047  }
0x7c: {  	s0 =	sadd.s32 @!p0 $0x100000, s0;
	[bflag:$0x2] =	sbarrier.arrive $0xFFFF  }
0x7d: {  	[sflag:s0] =	ssyncadd.tile.s32 @!p0 $0x1;
	_ =	shalt  }
.Lfunc_end2:
_tile_overlayer_lowered:
.L_overlay_start_2:
0x7e: {  	(tag) =	ssettag $0x2  }
0x7f: {  	s0 =	rddreg [dreg:$0x0];
	s2 =	stileid.u32  }
0x80: {  	s1 =	rddreg [dreg:$0x1];
	p0 =	sne.s32 s2, $0x0  }
0x81: {  	s3 =	rddreg [dreg:$0x2];
	[bflag:$0x3] =	sbarrier.arrive $0xFFFF;
	s2 =	simm.s32 @!p0 $0x1C02  }
0x82: {  	[timem:s3], [sflag:s2] =	dma.local @!p0 [hbm:s0], s1  }
0x83: {  	s0 =	simm.s32 @!p0 $0x2  }
0x84: {  	_ =	swait.ge @!p0 [sflag:s0], s1  }
0x85: {  	s1 =	ssub.s32 @!p0 $0x0, s1;
	[sflag:s0] =	ssyncset.done @!p0 $0x0  }
0x86: {  	[sflag:s0] =	ssyncadd.s32 @!p0 s1  }
0x87: {  	[bflag:$0x3] =	sbarrier.arrive $0xFFFF  }
0x88: {  	_ =	shalt  }

</sc_bundles>
